<compile_context>
chip_gen: v7x
topology: tpu7x:2x2x1
jax: 0.10.2.dev20260603
libtpu: 0.0.44.dev20260713+nightly
codegen_flags: <defaults>
</compile_context>

<pallas_src>
import functools

import jax
import jax.numpy as jnp
from jax import lax
from jax.experimental import pallas as pl
from jax.experimental.pallas import tpu as pltpu
from jax.experimental.pallas import tpu_sc as plsc

VOCAB = 1000000
EMBED_DIM = 32
BATCH = 16384
HIST = 50

NW = 32
BB = 512
N_BC = BATCH // BB
N_CID = HIST * N_BC
PER_W = N_CID // NW

_mesh = plsc.VectorSubcoreMesh(core_axis_name="c", subcore_axis_name="s")

_i32 = jnp.int32


@functools.partial(
    pl.kernel,
    out_type=jax.ShapeDtypeStruct((HIST, EMBED_DIM, BATCH), jnp.float32),
    mesh=_mesh,
    scratch_types=[
        pltpu.VMEM((PER_W * BB,), _i32),
        pltpu.VMEM((BB, EMBED_DIM), jnp.float32),
        pltpu.VMEM((BB, EMBED_DIM), jnp.float32),
        pltpu.VMEM((EMBED_DIM, BB), jnp.float32),
        pltpu.VMEM((EMBED_DIM, BB), jnp.float32),
        pltpu.SemaphoreType.DMA,
        pltpu.SemaphoreType.DMA,
        pltpu.SemaphoreType.DMA,
        pltpu.SemaphoreType.DMA,
    ],
    compiler_params=pltpu.CompilerParams(use_tc_tiling_on_sc=False,
                                         needs_layout_passes=False),
)
def _sc_embed(pt_flat, tab_hbm, out_p, idxall, rows_a, rows_b,
              oblk_a, oblk_b, gsa, gsb, osa, osb):
    c = lax.axis_index("c")
    s = lax.axis_index("s")
    w = s * 2 + c

    rows = (rows_a, rows_b)
    oblk = (oblk_a, oblk_b)
    gsem = (gsa, gsb)
    osem = (osa, osb)

    def cid_of(j):
        return w * PER_W + j

    pltpu.sync_copy(pt_flat.at[pl.ds(pl.multiple_of(w * PER_W * BB, 128),
                                     PER_W * BB)], idxall)

    def gather(j, p):
        return pltpu.make_async_copy(
            tab_hbm.at[idxall.at[pl.ds(j * BB, BB)]], rows[p], gsem[p])

    def outw(j, p):
        cid = cid_of(j)
        h = cid // N_BC
        b0 = pl.multiple_of((cid % N_BC) * BB, 128)
        return pltpu.make_async_copy(oblk[p],
                                     out_p.at[h, :, pl.ds(b0, BB)],
                                     osem[p])

    def transform(p):
        def body(bt, _):
            bvec = lax.iota(_i32, 16) + 16 * bt
            for d in range(EMBED_DIM):
                dvec = jnp.full((16,), d, _i32)
                vec = plsc.load_gather(rows[p], [bvec, dvec])
                oblk[p][d, pl.ds(16 * bt, 16)] = vec
            return 0

        lax.fori_loop(0, BB // 16, body, 0, unroll=False)

    n_pair = PER_W // 2

    gather(0, 0).start()
    gather(1, 1).start()

    def pair(t, _):
        j0 = 2 * t
        j1 = j0 + 1

        gather(j0, 0).wait()

        @pl.when(t > 0)
        def _():
            outw(j0 - 2, 0).wait()

        transform(0)
        outw(j0, 0).start()

        @pl.when(t + 1 < n_pair)
        def _():
            gather(j0 + 2, 0).start()

        gather(j1, 1).wait()

        @pl.when(t > 0)
        def _():
            outw(j1 - 2, 1).wait()

        transform(1)
        outw(j1, 1).start()

        @pl.when(t + 1 < n_pair)
        def _():
            gather(j1 + 2, 1).start()

        return 0

    lax.fori_loop(0, n_pair, pair, 0, unroll=False)
    outw(PER_W - 2, 0).wait()
    outw(PER_W - 1, 1).wait()


def kernel(PlayType, table):
    pt_flat = PlayType.T.reshape(HIST * BATCH)
    out_p = _sc_embed(pt_flat, table)
    return out_p.transpose(2, 0, 1)

# --- scband reference (transcript-rebuilt; emitter-appended) ---
"""Pipeline reference for scband-play-type-encoder-87153476370449 (READ-ONLY COPY).

The authoritative reference and input builder live on the scoring server;
editing this copy changes nothing except your own understanding.
"""

import jax, jax.numpy as jnp
import numpy as np

VOCAB = 1000000
EMBED_DIM = 32
BATCH = 16384
HIST = 50

def setup_inputs(seed: int = 0) -> dict:
    key = jax.random.key(seed)
    k_idx, k_tab = jax.random.split(key)
    PlayType = jax.random.randint(k_idx, (BATCH, HIST), 0, VOCAB, dtype=jnp.int64 if jax.config.read('jax_enable_x64') else jnp.int32)
    table = jax.random.normal(k_tab, (VOCAB, EMBED_DIM), dtype=jnp.float32) * 0.05
    return {"PlayType": PlayType, "table": table}

def reference(PlayType, table):
    # tf.keras.layers.Embedding: gather rows of the embedding table
    embed = jnp.take(table, PlayType, axis=0)
    return embed

if __name__ == "__main__":
    import jax
    _d = setup_inputs()
    print(jax.jit(kernel)(*tuple(_d.values())))

</pallas_src>

<mosaic_0001>
#map = affine_map<(d0, d1) -> (0)>
#map1 = affine_map<(d0, d1) -> (0, 0)>
#map2 = affine_map<(d0, d1) -> (0, 0, 0)>
module attributes {stable_mosaic.version = 14 : i64} {
  func.func @_sc_embed(%arg0: i32, %arg1: i32, %arg2: memref<819200xi32, #tpu.memory_space<hbm>>, %arg3: memref<1000000x32xf32, #tpu.memory_space<hbm>>, %arg4: memref<50x32x16384xf32, #tpu.memory_space<hbm>>, %arg5: memref<25600xi32, #tpu.memory_space<vmem>>, %arg6: memref<512x32xf32, #tpu.memory_space<vmem>>, %arg7: memref<512x32xf32, #tpu.memory_space<vmem>>, %arg8: memref<32x512xf32, #tpu.memory_space<vmem>>, %arg9: memref<32x512xf32, #tpu.memory_space<vmem>>, %arg10: memref<!tpu.dma_semaphore, #tpu.memory_space<semaphore_mem>>, %arg11: memref<!tpu.dma_semaphore, #tpu.memory_space<semaphore_mem>>, %arg12: memref<!tpu.dma_semaphore, #tpu.memory_space<semaphore_mem>>, %arg13: memref<!tpu.dma_semaphore, #tpu.memory_space<semaphore_mem>>) attributes {dimension_semantics = [#tpu.dimension_semantics<core_parallel>, #tpu.dimension_semantics<subcore_parallel>], iteration_bounds = array<i64: 2, 16>, scalar_prefetch = 0 : i64, scratch_operands = 9 : i64, tpu.core_type = #tpu.core_type<sc_vector_subcore>, window_params = [{transform_indices = #map}, {transform_indices = #map1}, {transform_indices = #map2}]} {
    %mul3A = arith.constant 2 : i32
    %mul3A_0 = arith.muli %arg1, %mul3A : i32
    %add3A = arith.addi %mul3A_0, %arg0 : i32
    %mul3A_1 = arith.constant 50 : i32
    %mul3A_2 = arith.muli %add3A, %mul3A_1 : i32
    %mul3A_3 = arith.constant 512 : i32
    %mul3A_4 = arith.muli %mul3A_2, %mul3A_3 : i32
    %multiple_of3A = tpu.assume_multiple %mul3A_4, 128 : i32
    "tpu.region"() ({
      %run_scoped3A = tpu.sem_alloc : memref<!tpu.dma_semaphore, #tpu.memory_space<semaphore_mem>>
      %dma_start3A_115 = tpu.memref_slice %arg2[%multiple_of3A] : memref<819200xi32, #tpu.memory_space<hbm>> -> memref<25600xi32, #tpu.memory_space<hbm>>
      %dma_start3A_116 = tpu.memref_slice %arg2[%multiple_of3A] : memref<819200xi32, #tpu.memory_space<hbm>> -> memref<25600xi32, #tpu.memory_space<hbm>>
      tpu.enqueue_dma source(%dma_start3A_116 : memref<25600xi32, #tpu.memory_space<hbm>>) target(%arg5 : memref<25600xi32, #tpu.memory_space<vmem>>) target_semaphore(%run_scoped3A : memref<!tpu.dma_semaphore, #tpu.memory_space<semaphore_mem>>)
      %dma_wait3A_117 = tpu.memref_slice %arg2[%multiple_of3A] : memref<819200xi32, #tpu.memory_space<hbm>> -> memref<25600xi32, #tpu.memory_space<hbm>>
      %dma_wait3A_118 = tpu.memref_slice %arg2[%multiple_of3A] : memref<819200xi32, #tpu.memory_space<hbm>> -> memref<25600xi32, #tpu.memory_space<hbm>>
      tpu.wait_dma2 semaphore(%run_scoped3A : memref<!tpu.dma_semaphore, #tpu.memory_space<semaphore_mem>>) src(%dma_wait3A_118 : memref<25600xi32, #tpu.memory_space<hbm>>) dst(%arg5 : memref<25600xi32, #tpu.memory_space<vmem>>)
      tpu.yield
    }) : () -> ()
    %dma_start3A = arith.constant 0 : i32
    %dma_start3A_5 = tpu.memref_slice %arg5[%dma_start3A] : memref<25600xi32, #tpu.memory_space<vmem>> -> memref<512xi32, #tpu.memory_space<vmem>>
    %dma_start3A_6 = arith.constant 0 : i32
    %dma_start3A_7 = arith.constant 0 : i32
    %dma_start3A_8 = tpu.memref_slice %arg3[%dma_start3A_6, %dma_start3A_7] : memref<1000000x32xf32, #tpu.memory_space<hbm>> -> memref<1000000x32xf32, #tpu.memory_space<hbm>>
    tpu.enqueue_indirect_dma source(%dma_start3A_8 : memref<1000000x32xf32, #tpu.memory_space<hbm>>) target(%arg6 : memref<512x32xf32, #tpu.memory_space<vmem>>) offsets(%dma_start3A_5 : memref<512xi32, #tpu.memory_space<vmem>>) semaphore(%arg10 : memref<!tpu.dma_semaphore, #tpu.memory_space<semaphore_mem>>)
    %dma_start3A_9 = arith.constant 512 : i32
    %dma_start3A_10 = tpu.memref_slice %arg5[%dma_start3A_9] : memref<25600xi32, #tpu.memory_space<vmem>> -> memref<512xi32, #tpu.memory_space<vmem>>
    %dma_start3A_11 = arith.constant 0 : i32
    %dma_start3A_12 = arith.constant 0 : i32
    %dma_start3A_13 = tpu.memref_slice %arg3[%dma_start3A_11, %dma_start3A_12] : memref<1000000x32xf32, #tpu.memory_space<hbm>> -> memref<1000000x32xf32, #tpu.memory_space<hbm>>
    tpu.enqueue_indirect_dma source(%dma_start3A_13 : memref<1000000x32xf32, #tpu.memory_space<hbm>>) target(%arg7 : memref<512x32xf32, #tpu.memory_space<vmem>>) offsets(%dma_start3A_10 : memref<512xi32, #tpu.memory_space<vmem>>) semaphore(%arg11 : memref<!tpu.dma_semaphore, #tpu.memory_space<semaphore_mem>>)
    %scan3A = arith.constant 0 : i32
    %scan3A_14 = arith.constant 0 : i32
    %scan3A_15 = arith.constant 25 : i32
    %scan3A_16 = arith.addi %scan3A_14, %scan3A_15 : i32
    %scan3A_17 = arith.constant 1 : i32
    %scan3A_18 = scf.for %scan3A_115 = %scan3A_14 to %scan3A_16 step %scan3A_17 iter_args(%scan3A_116 = %scan3A) -> (i32)  : i32 {
      %mul3A_117 = arith.constant 2 : i32
      %mul3A_118 = arith.muli %mul3A_117, %scan3A_115 : i32
      %add3A_119 = arith.constant 1 : i32
      %add3A_120 = arith.addi %mul3A_118, %add3A_119 : i32
      %mul3A_121 = arith.constant 512 : i32
      %mul3A_122 = arith.muli %mul3A_118, %mul3A_121 : i32
      %dma_wait3A_123 = tpu.memref_slice %arg5[%mul3A_122] : memref<25600xi32, #tpu.memory_space<vmem>> -> memref<512xi32, #tpu.memory_space<vmem>>
      %dma_wait3A_124 = arith.constant 0 : i32
      %dma_wait3A_125 = arith.constant 0 : i32
      %dma_wait3A_126 = tpu.memref_slice %arg3[%dma_wait3A_124, %dma_wait3A_125] : memref<1000000x32xf32, #tpu.memory_space<hbm>> -> memref<1000000x32xf32, #tpu.memory_space<hbm>>
      tpu.wait_indirect_dma semaphore(%arg10 : memref<!tpu.dma_semaphore, #tpu.memory_space<semaphore_mem>>) src(%dma_wait3A_126 : memref<1000000x32xf32, #tpu.memory_space<hbm>>) dst(%arg6 : memref<512x32xf32, #tpu.memory_space<vmem>>)
      %gt3A = arith.constant 0 : i32
      %gt3A_127 = arith.cmpi sgt, %scan3A_115, %gt3A : i32
      %convert_element_type3A = arith.extui %gt3A_127 : i1 to i32
      %cond3A = arith.constant 0 : i32
      %cond3A_128 = arith.cmpi ne, %convert_element_type3A, %cond3A : i32
      scf.if %cond3A_128 {
        %sub3A_273 = arith.constant 2 : i32
        %sub3A_274 = arith.subi %mul3A_118, %sub3A_273 : i32
        %mul3A_275 = arith.constant 50 : i32
        %mul3A_276 = arith.muli %add3A, %mul3A_275 : i32
        %add3A_277 = arith.addi %mul3A_276, %sub3A_274 : i32
        %jit3A_278 = arith.constant 32 : i32
        %div3A_279 = arith.divsi %add3A_277, %jit3A_278 : i32
        %sign3A_280 = arith.constant 0 : i32
        %sign3A_281 = arith.cmpi sgt, %add3A_277, %sign3A_280 : i32
        %sign3A_282 = arith.extui %sign3A_281 : i1 to i32
        %sign3A_283 = arith.constant 0 : i32
        %sign3A_284 = arith.cmpi slt, %add3A_277, %sign3A_283 : i32
        %sign3A_285 = arith.extui %sign3A_284 : i1 to i32
        %sign3A_286 = arith.subi %sign3A_282, %sign3A_285 : i32
        %sign3A_287 = arith.constant 0 : i32
        %sign3A_288 = arith.cmpi sgt, %jit3A_278, %sign3A_287 : i32
        %sign3A_289 = arith.extui %sign3A_288 : i1 to i32
        %sign3A_290 = arith.constant 0 : i32
        %sign3A_291 = arith.cmpi slt, %jit3A_278, %sign3A_290 : i32
        %sign3A_292 = arith.extui %sign3A_291 : i1 to i32
        %sign3A_293 = arith.subi %sign3A_289, %sign3A_292 : i32
        %ne3A_294 = arith.cmpi ne, %sign3A_286, %sign3A_293 : i32
        %rem3A_295 = arith.remsi %add3A_277, %jit3A_278 : i32
        %ne3A_296 = arith.constant 0 : i32
        %ne3A_297 = arith.cmpi ne, %rem3A_295, %ne3A_296 : i32
        %and3A_298 = arith.andi %ne3A_294, %ne3A_297 : i1
        %sub3A_299 = arith.constant 1 : i32
        %sub3A_300 = arith.subi %div3A_279, %sub3A_299 : i32
        %select_n3A_301 = arith.select %and3A_298, %sub3A_300, %div3A_279 : i32
        %jit3A_302 = arith.constant 32 : i32
        %eq3A_303 = arith.constant 0 : i32
        %eq3A_304 = arith.cmpi eq, %jit3A_302, %eq3A_303 : i32
        %jit3A_305 = arith.constant 1 : i32
        %select_n3A_306 = arith.select %eq3A_304, %jit3A_305, %jit3A_302 : i32
        %rem3A_307 = arith.remsi %add3A_277, %select_n3A_306 : i32
        %ne3A_308 = arith.constant 0 : i32
        %ne3A_309 = arith.cmpi ne, %rem3A_307, %ne3A_308 : i32
        %lt3A_310 = arith.constant 0 : i32
        %lt3A_311 = arith.cmpi slt, %rem3A_307, %lt3A_310 : i32
        %lt3A_312 = arith.constant 0 : i32
        %lt3A_313 = arith.cmpi slt, %select_n3A_306, %lt3A_312 : i32
        %ne3A_314 = arith.xori %lt3A_311, %lt3A_313 : i1
        %and3A_315 = arith.andi %ne3A_314, %ne3A_309 : i1
        %add3A_316 = arith.addi %rem3A_307, %select_n3A_306 : i32
        %select_n3A_317 = arith.select %and3A_315, %add3A_316, %rem3A_307 : i32
        %mul3A_318 = arith.constant 512 : i32
        %mul3A_319 = arith.muli %select_n3A_317, %mul3A_318 : i32
        %multiple_of3A_320 = tpu.assume_multiple %mul3A_319, 128 : i32
        %dma_wait3A_321 = arith.constant 0 : i32
        %dma_wait3A_322 = tpu.memref_slice %arg4[%select_n3A_301, %dma_wait3A_321, %multiple_of3A_320] : memref<50x32x16384xf32, #tpu.memory_space<hbm>> -> memref<1x32x512xf32, #tpu.memory_space<hbm>>
        %dma_wait3A_323 = tpu.memref_squeeze %dma_wait3A_322 : memref<1x32x512xf32, #tpu.memory_space<hbm>> -> memref<32x512xf32, #tpu.memory_space<hbm>>
        %dma_wait3A_324 = arith.constant 0 : i32
        %dma_wait3A_325 = tpu.memref_slice %arg4[%select_n3A_301, %dma_wait3A_324, %multiple_of3A_320] : memref<50x32x16384xf32, #tpu.memory_space<hbm>> -> memref<1x32x512xf32, #tpu.memory_space<hbm>>
        %dma_wait3A_326 = tpu.memref_squeeze %dma_wait3A_325 : memref<1x32x512xf32, #tpu.memory_space<hbm>> -> memref<32x512xf32, #tpu.memory_space<hbm>>
        tpu.wait_dma2 semaphore(%arg12 : memref<!tpu.dma_semaphore, #tpu.memory_space<semaphore_mem>>) src(%arg8 : memref<32x512xf32, #tpu.memory_space<vmem>>) dst(%dma_wait3A_326 : memref<32x512xf32, #tpu.memory_space<hbm>>)
      } else {
      }
      %scan3A_129 = arith.constant 0 : i32
      %scan3A_130 = arith.constant 0 : i32
      %scan3A_131 = arith.constant 32 : i32
      %scan3A_132 = arith.addi %scan3A_130, %scan3A_131 : i32
      %scan3A_133 = arith.constant 1 : i32
      %scan3A_134 = scf.for %scan3A_273 = %scan3A_130 to %scan3A_132 step %scan3A_133 iter_args(%scan3A_274 = %scan3A_129) -> (i32)  : i32 {
        %iota3A = tpu.iota {dimensions = array<i32: 0>} : vector<16xi32>
        %mul3A_275 = arith.constant 16 : i32
        %mul3A_276 = arith.muli %mul3A_275, %scan3A_273 : i32
        %add3A_277 = vector.broadcast %mul3A_276 : i32 to vector<16xi32>
        %add3A_278 = arith.addi %iota3A, %add3A_277 : vector<16xi32>
        %broadcast_in_dim3A = arith.constant 0 : i32
        %broadcast_in_dim3A_279 = vector.broadcast %broadcast_in_dim3A : i32 to vector<16xi32>
        %gather3A = tpu.vector_load_idx %arg6[%add3A_278, %broadcast_in_dim3A_279] : memref<512x32xf32, #tpu.memory_space<vmem>>[vector<16xi32>, vector<16xi32>], vector<16xf32>,
        %mul3A_280 = arith.constant 16 : i32
        %mul3A_281 = arith.muli %mul3A_280, %scan3A_273 : i32
        %swap3A = arith.constant 0 : i32
        %swap3A_282 = arith.index_cast %swap3A : i32 to index
        %swap3A_283 = arith.index_cast %mul3A_281 : i32 to index
        %swap3A_284 = tpu.vector_load %arg8[%swap3A_282, %swap3A_283] {strides = array<i32>} : memref<32x512xf32, #tpu.memory_space<vmem>>, vector<16xf32>,
        tpu.vector_store %arg8[%swap3A_282, %swap3A_283], %gather3A {strides = array<i32>} : memref<32x512xf32, #tpu.memory_space<vmem>>, vector<16xf32>,
        %broadcast_in_dim3A_285 = arith.constant 1 : i32
        %broadcast_in_dim3A_286 = vector.broadcast %broadcast_in_dim3A_285 : i32 to vector<16xi32>
        %gather3A_287 = tpu.vector_load_idx %arg6[%add3A_278, %broadcast_in_dim3A_286] : memref<512x32xf32, #tpu.memory_space<vmem>>[vector<16xi32>, vector<16xi32>], vector<16xf32>,
        %mul3A_288 = arith.constant 16 : i32
        %mul3A_289 = arith.muli %mul3A_288, %scan3A_273 : i32
        %swap3A_290 = arith.constant 1 : i32
        %swap3A_291 = arith.index_cast %swap3A_290 : i32 to index
        %swap3A_292 = arith.index_cast %mul3A_289 : i32 to index
        %swap3A_293 = tpu.vector_load %arg8[%swap3A_291, %swap3A_292] {strides = array<i32>} : memref<32x512xf32, #tpu.memory_space<vmem>>, vector<16xf32>,
        tpu.vector_store %arg8[%swap3A_291, %swap3A_292], %gather3A_287 {strides = array<i32>} : memref<32x512xf32, #tpu.memory_space<vmem>>, vector<16xf32>,
        %broadcast_in_dim3A_294 = arith.constant 2 : i32
        %broadcast_in_dim3A_295 = vector.broadcast %broadcast_in_dim3A_294 : i32 to vector<16xi32>
        %gather3A_296 = tpu.vector_load_idx %arg6[%add3A_278, %broadcast_in_dim3A_295] : memref<512x32xf32, #tpu.memory_space<vmem>>[vector<16xi32>, vector<16xi32>], vector<16xf32>,
        %mul3A_297 = arith.constant 16 : i32
        %mul3A_298 = arith.muli %mul3A_297, %scan3A_273 : i32
        %swap3A_299 = arith.constant 2 : i32
        %swap3A_300 = arith.index_cast %swap3A_299 : i32 to index
        %swap3A_301 = arith.index_cast %mul3A_298 : i32 to index
        %swap3A_302 = tpu.vector_load %arg8[%swap3A_300, %swap3A_301] {strides = array<i32>} : memref<32x512xf32, #tpu.memory_space<vmem>>, vector<16xf32>,
        tpu.vector_store %arg8[%swap3A_300, %swap3A_301], %gather3A_296 {strides = array<i32>} : memref<32x512xf32, #tpu.memory_space<vmem>>, vector<16xf32>,
        %broadcast_in_dim3A_303 = arith.constant 3 : i32
        %broadcast_in_dim3A_304 = vector.broadcast %broadcast_in_dim3A_303 : i32 to vector<16xi32>
        %gather3A_305 = tpu.vector_load_idx %arg6[%add3A_278, %broadcast_in_dim3A_304] : memref<512x32xf32, #tpu.memory_space<vmem>>[vector<16xi32>, vector<16xi32>], vector<16xf32>,
        %mul3A_306 = arith.constant 16 : i32
        %mul3A_307 = arith.muli %mul3A_306, %scan3A_273 : i32
        %swap3A_308 = arith.constant 3 : i32
        %swap3A_309 = arith.index_cast %swap3A_308 : i32 to index
        %swap3A_310 = arith.index_cast %mul3A_307 : i32 to index
        %swap3A_311 = tpu.vector_load %arg8[%swap3A_309, %swap3A_310] {strides = array<i32>} : memref<32x512xf32, #tpu.memory_space<vmem>>, vector<16xf32>,
        tpu.vector_store %arg8[%swap3A_309, %swap3A_310], %gather3A_305 {strides = array<i32>} : memref<32x512xf32, #tpu.memory_space<vmem>>, vector<16xf32>,
        %broadcast_in_dim3A_312 = arith.constant 4 : i32
        %broadcast_in_dim3A_313 = vector.broadcast %broadcast_in_dim3A_312 : i32 to vector<16xi32>
        %gather3A_314 = tpu.vector_load_idx %arg6[%add3A_278, %broadcast_in_dim3A_313] : memref<512x32xf32, #tpu.memory_space<vmem>>[vector<16xi32>, vector<16xi32>], vector<16xf32>,
        %mul3A_315 = arith.constant 16 : i32
        %mul3A_316 = arith.muli %mul3A_315, %scan3A_273 : i32
        %swap3A_317 = arith.constant 4 : i32
        %swap3A_318 = arith.index_cast %swap3A_317 : i32 to index
        %swap3A_319 = arith.index_cast %mul3A_316 : i32 to index
        %swap3A_320 = tpu.vector_load %arg8[%swap3A_318, %swap3A_319] {strides = array<i32>} : memref<32x512xf32, #tpu.memory_space<vmem>>, vector<16xf32>,
        tpu.vector_store %arg8[%swap3A_318, %swap3A_319], %gather3A_314 {strides = array<i32>} : memref<32x512xf32, #tpu.memory_space<vmem>>, vector<16xf32>,
        %broadcast_in_dim3A_321 = arith.constant 5 : i32
        %broadcast_in_dim3A_322 = vector.broadcast %broadcast_in_dim3A_321 : i32 to vector<16xi32>
        %gather3A_323 = tpu.vector_load_idx %arg6[%add3A_278, %broadcast_in_dim3A_322] : memref<512x32xf32, #tpu.memory_space<vmem>>[vector<16xi32>, vector<16xi32>], vector<16xf32>,
        %mul3A_324 = arith.constant 16 : i32
        %mul3A_325 = arith.muli %mul3A_324, %scan3A_273 : i32
        %swap3A_326 = arith.constant 5 : i32
        %swap3A_327 = arith.index_cast %swap3A_326 : i32 to index
        %swap3A_328 = arith.index_cast %mul3A_325 : i32 to index
        %swap3A_329 = tpu.vector_load %arg8[%swap3A_327, %swap3A_328] {strides = array<i32>} : memref<32x512xf32, #tpu.memory_space<vmem>>, vector<16xf32>,
        tpu.vector_store %arg8[%swap3A_327, %swap3A_328], %gather3A_323 {strides = array<i32>} : memref<32x512xf32, #tpu.memory_space<vmem>>, vector<16xf32>,
        %broadcast_in_dim3A_330 = arith.constant 6 : i32
        %broadcast_in_dim3A_331 = vector.broadcast %broadcast_in_dim3A_330 : i32 to vector<16xi32>
        %gather3A_332 = tpu.vector_load_idx %arg6[%add3A_278, %broadcast_in_dim3A_331] : memref<512x32xf32, #tpu.memory_space<vmem>>[vector<16xi32>, vector<16xi32>], vector<16xf32>,
        %mul3A_333 = arith.constant 16 : i32
        %mul3A_334 = arith.muli %mul3A_333, %scan3A_273 : i32
        %swap3A_335 = arith.constant 6 : i32
        %swap3A_336 = arith.index_cast %swap3A_335 : i32 to index
        %swap3A_337 = arith.index_cast %mul3A_334 : i32 to index
        %swap3A_338 = tpu.vector_load %arg8[%swap3A_336, %swap3A_337] {strides = array<i32>} : memref<32x512xf32, #tpu.memory_space<vmem>>, vector<16xf32>,
        tpu.vector_store %arg8[%swap3A_336, %swap3A_337], %gather3A_332 {strides = array<i32>} : memref<32x512xf32, #tpu.memory_space<vmem>>, vector<16xf32>,
        %broadcast_in_dim3A_339 = arith.constant 7 : i32
        %broadcast_in_dim3A_340 = vector.broadcast %broadcast_in_dim3A_339 : i32 to vector<16xi32>
        %gather3A_341 = tpu.vector_load_idx %arg6[%add3A_278, %broadcast_in_dim3A_340] : memref<512x32xf32, #tpu.memory_space<vmem>>[vector<16xi32>, vector<16xi32>], vector<16xf32>,
        %mul3A_342 = arith.constant 16 : i32
        %mul3A_343 = arith.muli %mul3A_342, %scan3A_273 : i32
        %swap3A_344 = arith.constant 7 : i32
        %swap3A_345 = arith.index_cast %swap3A_344 : i32 to index
        %swap3A_346 = arith.index_cast %mul3A_343 : i32 to index
        %swap3A_347 = tpu.vector_load %arg8[%swap3A_345, %swap3A_346] {strides = array<i32>} : memref<32x512xf32, #tpu.memory_space<vmem>>, vector<16xf32>,
        tpu.vector_store %arg8[%swap3A_345, %swap3A_346], %gather3A_341 {strides = array<i32>} : memref<32x512xf32, #tpu.memory_space<vmem>>, vector<16xf32>,
        %broadcast_in_dim3A_348 = arith.constant 8 : i32
        %broadcast_in_dim3A_349 = vector.broadcast %broadcast_in_dim3A_348 : i32 to vector<16xi32>
        %gather3A_350 = tpu.vector_load_idx %arg6[%add3A_278, %broadcast_in_dim3A_349] : memref<512x32xf32, #tpu.memory_space<vmem>>[vector<16xi32>, vector<16xi32>], vector<16xf32>,
        %mul3A_351 = arith.constant 16 : i32
        %mul3A_352 = arith.muli %mul3A_351, %scan3A_273 : i32
        %swap3A_353 = arith.constant 8 : i32
        %swap3A_354 = arith.index_cast %swap3A_353 : i32 to index
        %swap3A_355 = arith.index_cast %mul3A_352 : i32 to index
        %swap3A_356 = tpu.vector_load %arg8[%swap3A_354, %swap3A_355] {strides = array<i32>} : memref<32x512xf32, #tpu.memory_space<vmem>>, vector<16xf32>,
        tpu.vector_store %arg8[%swap3A_354, %swap3A_355], %gather3A_350 {strides = array<i32>} : memref<32x512xf32, #tpu.memory_space<vmem>>, vector<16xf32>,
        %broadcast_in_dim3A_357 = arith.constant 9 : i32
        %broadcast_in_dim3A_358 = vector.broadcast %broadcast_in_dim3A_357 : i32 to vector<16xi32>
        %gather3A_359 = tpu.vector_load_idx %arg6[%add3A_278, %broadcast_in_dim3A_358] : memref<512x32xf32, #tpu.memory_space<vmem>>[vector<16xi32>, vector<16xi32>], vector<16xf32>,
        %mul3A_360 = arith.constant 16 : i32
        %mul3A_361 = arith.muli %mul3A_360, %scan3A_273 : i32
        %swap3A_362 = arith.constant 9 : i32
        %swap3A_363 = arith.index_cast %swap3A_362 : i32 to index
        %swap3A_364 = arith.index_cast %mul3A_361 : i32 to index
        %swap3A_365 = tpu.vector_load %arg8[%swap3A_363, %swap3A_364] {strides = array<i32>} : memref<32x512xf32, #tpu.memory_space<vmem>>, vector<16xf32>,
        tpu.vector_store %arg8[%swap3A_363, %swap3A_364], %gather3A_359 {strides = array<i32>} : memref<32x512xf32, #tpu.memory_space<vmem>>, vector<16xf32>,
        %broadcast_in_dim3A_366 = arith.constant 10 : i32
        %broadcast_in_dim3A_367 = vector.broadcast %broadcast_in_dim3A_366 : i32 to vector<16xi32>
        %gather3A_368 = tpu.vector_load_idx %arg6[%add3A_278, %broadcast_in_dim3A_367] : memref<512x32xf32, #tpu.memory_space<vmem>>[vector<16xi32>, vector<16xi32>], vector<16xf32>,
        %mul3A_369 = arith.constant 16 : i32
        %mul3A_370 = arith.muli %mul3A_369, %scan3A_273 : i32
        %swap3A_371 = arith.constant 10 : i32
        %swap3A_372 = arith.index_cast %swap3A_371 : i32 to index
        %swap3A_373 = arith.index_cast %mul3A_370 : i32 to index
        %swap3A_374 = tpu.vector_load %arg8[%swap3A_372, %swap3A_373] {strides = array<i32>} : memref<32x512xf32, #tpu.memory_space<vmem>>, vector<16xf32>,
        tpu.vector_store %arg8[%swap3A_372, %swap3A_373], %gather3A_368 {strides = array<i32>} : memref<32x512xf32, #tpu.memory_space<vmem>>, vector<16xf32>,
        %broadcast_in_dim3A_375 = arith.constant 11 : i32
        %broadcast_in_dim3A_376 = vector.broadcast %broadcast_in_dim3A_375 : i32 to vector<16xi32>
        %gather3A_377 = tpu.vector_load_idx %arg6[%add3A_278, %broadcast_in_dim3A_376] : memref<512x32xf32, #tpu.memory_space<vmem>>[vector<16xi32>, vector<16xi32>], vector<16xf32>,
        %mul3A_378 = arith.constant 16 : i32
        %mul3A_379 = arith.muli %mul3A_378, %scan3A_273 : i32
        %swap3A_380 = arith.constant 11 : i32
        %swap3A_381 = arith.index_cast %swap3A_380 : i32 to index
        %swap3A_382 = arith.index_cast %mul3A_379 : i32 to index
        %swap3A_383 = tpu.vector_load %arg8[%swap3A_381, %swap3A_382] {strides = array<i32>} : memref<32x512xf32, #tpu.memory_space<vmem>>, vector<16xf32>,
        tpu.vector_store %arg8[%swap3A_381, %swap3A_382], %gather3A_377 {strides = array<i32>} : memref<32x512xf32, #tpu.memory_space<vmem>>, vector<16xf32>,
        %broadcast_in_dim3A_384 = arith.constant 12 : i32
        %broadcast_in_dim3A_385 = vector.broadcast %broadcast_in_dim3A_384 : i32 to vector<16xi32>
        %gather3A_386 = tpu.vector_load_idx %arg6[%add3A_278, %broadcast_in_dim3A_385] : memref<512x32xf32, #tpu.memory_space<vmem>>[vector<16xi32>, vector<16xi32>], vector<16xf32>,
        %mul3A_387 = arith.constant 16 : i32
        %mul3A_388 = arith.muli %mul3A_387, %scan3A_273 : i32
        %swap3A_389 = arith.constant 12 : i32
        %swap3A_390 = arith.index_cast %swap3A_389 : i32 to index
        %swap3A_391 = arith.index_cast %mul3A_388 : i32 to index
        %swap3A_392 = tpu.vector_load %arg8[%swap3A_390, %swap3A_391] {strides = array<i32>} : memref<32x512xf32, #tpu.memory_space<vmem>>, vector<16xf32>,
        tpu.vector_store %arg8[%swap3A_390, %swap3A_391], %gather3A_386 {strides = array<i32>} : memref<32x512xf32, #tpu.memory_space<vmem>>, vector<16xf32>,
        %broadcast_in_dim3A_393 = arith.constant 13 : i32
        %broadcast_in_dim3A_394 = vector.broadcast %broadcast_in_dim3A_393 : i32 to vector<16xi32>
        %gather3A_395 = tpu.vector_load_idx %arg6[%add3A_278, %broadcast_in_dim3A_394] : memref<512x32xf32, #tpu.memory_space<vmem>>[vector<16xi32>, vector<16xi32>], vector<16xf32>,
        %mul3A_396 = arith.constant 16 : i32
        %mul3A_397 = arith.muli %mul3A_396, %scan3A_273 : i32
        %swap3A_398 = arith.constant 13 : i32
        %swap3A_399 = arith.index_cast %swap3A_398 : i32 to index
        %swap3A_400 = arith.index_cast %mul3A_397 : i32 to index
        %swap3A_401 = tpu.vector_load %arg8[%swap3A_399, %swap3A_400] {strides = array<i32>} : memref<32x512xf32, #tpu.memory_space<vmem>>, vector<16xf32>,
        tpu.vector_store %arg8[%swap3A_399, %swap3A_400], %gather3A_395 {strides = array<i32>} : memref<32x512xf32, #tpu.memory_space<vmem>>, vector<16xf32>,
        %broadcast_in_dim3A_402 = arith.constant 14 : i32
        %broadcast_in_dim3A_403 = vector.broadcast %broadcast_in_dim3A_402 : i32 to vector<16xi32>
        %gather3A_404 = tpu.vector_load_idx %arg6[%add3A_278, %broadcast_in_dim3A_403] : memref<512x32xf32, #tpu.memory_space<vmem>>[vector<16xi32>, vector<16xi32>], vector<16xf32>,
        %mul3A_405 = arith.constant 16 : i32
        %mul3A_406 = arith.muli %mul3A_405, %scan3A_273 : i32
        %swap3A_407 = arith.constant 14 : i32
        %swap3A_408 = arith.index_cast %swap3A_407 : i32 to index
        %swap3A_409 = arith.index_cast %mul3A_406 : i32 to index
        %swap3A_410 = tpu.vector_load %arg8[%swap3A_408, %swap3A_409] {strides = array<i32>} : memref<32x512xf32, #tpu.memory_space<vmem>>, vector<16xf32>,
        tpu.vector_store %arg8[%swap3A_408, %swap3A_409], %gather3A_404 {strides = array<i32>} : memref<32x512xf32, #tpu.memory_space<vmem>>, vector<16xf32>,
        %broadcast_in_dim3A_411 = arith.constant 15 : i32
        %broadcast_in_dim3A_412 = vector.broadcast %broadcast_in_dim3A_411 : i32 to vector<16xi32>
        %gather3A_413 = tpu.vector_load_idx %arg6[%add3A_278, %broadcast_in_dim3A_412] : memref<512x32xf32, #tpu.memory_space<vmem>>[vector<16xi32>, vector<16xi32>], vector<16xf32>,
        %mul3A_414 = arith.constant 16 : i32
        %mul3A_415 = arith.muli %mul3A_414, %scan3A_273 : i32
        %swap3A_416 = arith.constant 15 : i32
        %swap3A_417 = arith.index_cast %swap3A_416 : i32 to index
        %swap3A_418 = arith.index_cast %mul3A_415 : i32 to index
        %swap3A_419 = tpu.vector_load %arg8[%swap3A_417, %swap3A_418] {strides = array<i32>} : memref<32x512xf32, #tpu.memory_space<vmem>>, vector<16xf32>,
        tpu.vector_store %arg8[%swap3A_417, %swap3A_418], %gather3A_413 {strides = array<i32>} : memref<32x512xf32, #tpu.memory_space<vmem>>, vector<16xf32>,
        %broadcast_in_dim3A_420 = arith.constant 16 : i32
        %broadcast_in_dim3A_421 = vector.broadcast %broadcast_in_dim3A_420 : i32 to vector<16xi32>
        %gather3A_422 = tpu.vector_load_idx %arg6[%add3A_278, %broadcast_in_dim3A_421] : memref<512x32xf32, #tpu.memory_space<vmem>>[vector<16xi32>, vector<16xi32>], vector<16xf32>,
        %mul3A_423 = arith.constant 16 : i32
        %mul3A_424 = arith.muli %mul3A_423, %scan3A_273 : i32
        %swap3A_425 = arith.constant 16 : i32
        %swap3A_426 = arith.index_cast %swap3A_425 : i32 to index
        %swap3A_427 = arith.index_cast %mul3A_424 : i32 to index
        %swap3A_428 = tpu.vector_load %arg8[%swap3A_426, %swap3A_427] {strides = array<i32>} : memref<32x512xf32, #tpu.memory_space<vmem>>, vector<16xf32>,
        tpu.vector_store %arg8[%swap3A_426, %swap3A_427], %gather3A_422 {strides = array<i32>} : memref<32x512xf32, #tpu.memory_space<vmem>>, vector<16xf32>,
        %broadcast_in_dim3A_429 = arith.constant 17 : i32
        %broadcast_in_dim3A_430 = vector.broadcast %broadcast_in_dim3A_429 : i32 to vector<16xi32>
        %gather3A_431 = tpu.vector_load_idx %arg6[%add3A_278, %broadcast_in_dim3A_430] : memref<512x32xf32, #tpu.memory_space<vmem>>[vector<16xi32>, vector<16xi32>], vector<16xf32>,
        %mul3A_432 = arith.constant 16 : i32
        %mul3A_433 = arith.muli %mul3A_432, %scan3A_273 : i32
        %swap3A_434 = arith.constant 17 : i32
        %swap3A_435 = arith.index_cast %swap3A_434 : i32 to index
        %swap3A_436 = arith.index_cast %mul3A_433 : i32 to index
        %swap3A_437 = tpu.vector_load %arg8[%swap3A_435, %swap3A_436] {strides = array<i32>} : memref<32x512xf32, #tpu.memory_space<vmem>>, vector<16xf32>,
        tpu.vector_store %arg8[%swap3A_435, %swap3A_436], %gather3A_431 {strides = array<i32>} : memref<32x512xf32, #tpu.memory_space<vmem>>, vector<16xf32>,
        %broadcast_in_dim3A_438 = arith.constant 18 : i32
        %broadcast_in_dim3A_439 = vector.broadcast %broadcast_in_dim3A_438 : i32 to vector<16xi32>
        %gather3A_440 = tpu.vector_load_idx %arg6[%add3A_278, %broadcast_in_dim3A_439] : memref<512x32xf32, #tpu.memory_space<vmem>>[vector<16xi32>, vector<16xi32>], vector<16xf32>,
        %mul3A_441 = arith.constant 16 : i32
        %mul3A_442 = arith.muli %mul3A_441, %scan3A_273 : i32
        %swap3A_443 = arith.constant 18 : i32
        %swap3A_444 = arith.index_cast %swap3A_443 : i32 to index
        %swap3A_445 = arith.index_cast %mul3A_442 : i32 to index
        %swap3A_446 = tpu.vector_load %arg8[%swap3A_444, %swap3A_445] {strides = array<i32>} : memref<32x512xf32, #tpu.memory_space<vmem>>, vector<16xf32>,
        tpu.vector_store %arg8[%swap3A_444, %swap3A_445], %gather3A_440 {strides = array<i32>} : memref<32x512xf32, #tpu.memory_space<vmem>>, vector<16xf32>,
        %broadcast_in_dim3A_447 = arith.constant 19 : i32
        %broadcast_in_dim3A_448 = vector.broadcast %broadcast_in_dim3A_447 : i32 to vector<16xi32>
        %gather3A_449 = tpu.vector_load_idx %arg6[%add3A_278, %broadcast_in_dim3A_448] : memref<512x32xf32, #tpu.memory_space<vmem>>[vector<16xi32>, vector<16xi32>], vector<16xf32>,
        %mul3A_450 = arith.constant 16 : i32
        %mul3A_451 = arith.muli %mul3A_450, %scan3A_273 : i32
        %swap3A_452 = arith.constant 19 : i32
        %swap3A_453 = arith.index_cast %swap3A_452 : i32 to index
        %swap3A_454 = arith.index_cast %mul3A_451 : i32 to index
        %swap3A_455 = tpu.vector_load %arg8[%swap3A_453, %swap3A_454] {strides = array<i32>} : memref<32x512xf32, #tpu.memory_space<vmem>>, vector<16xf32>,
        tpu.vector_store %arg8[%swap3A_453, %swap3A_454], %gather3A_449 {strides = array<i32>} : memref<32x512xf32, #tpu.memory_space<vmem>>, vector<16xf32>,
        %broadcast_in_dim3A_456 = arith.constant 20 : i32
        %broadcast_in_dim3A_457 = vector.broadcast %broadcast_in_dim3A_456 : i32 to vector<16xi32>
        %gather3A_458 = tpu.vector_load_idx %arg6[%add3A_278, %broadcast_in_dim3A_457] : memref<512x32xf32, #tpu.memory_space<vmem>>[vector<16xi32>, vector<16xi32>], vector<16xf32>,
        %mul3A_459 = arith.constant 16 : i32
        %mul3A_460 = arith.muli %mul3A_459, %scan3A_273 : i32
        %swap3A_461 = arith.constant 20 : i32
        %swap3A_462 = arith.index_cast %swap3A_461 : i32 to index
        %swap3A_463 = arith.index_cast %mul3A_460 : i32 to index
        %swap3A_464 = tpu.vector_load %arg8[%swap3A_462, %swap3A_463] {strides = array<i32>} : memref<32x512xf32, #tpu.memory_space<vmem>>, vector<16xf32>,
        tpu.vector_store %arg8[%swap3A_462, %swap3A_463], %gather3A_458 {strides = array<i32>} : memref<32x512xf32, #tpu.memory_space<vmem>>, vector<16xf32>,
        %broadcast_in_dim3A_465 = arith.constant 21 : i32
        %broadcast_in_dim3A_466 = vector.broadcast %broadcast_in_dim3A_465 : i32 to vector<16xi32>
        %gather3A_467 = tpu.vector_load_idx %arg6[%add3A_278, %broadcast_in_dim3A_466] : memref<512x32xf32, #tpu.memory_space<vmem>>[vector<16xi32>, vector<16xi32>], vector<16xf32>,
        %mul3A_468 = arith.constant 16 : i32
        %mul3A_469 = arith.muli %mul3A_468, %scan3A_273 : i32
        %swap3A_470 = arith.constant 21 : i32
        %swap3A_471 = arith.index_cast %swap3A_470 : i32 to index
        %swap3A_472 = arith.index_cast %mul3A_469 : i32 to index
        %swap3A_473 = tpu.vector_load %arg8[%swap3A_471, %swap3A_472] {strides = array<i32>} : memref<32x512xf32, #tpu.memory_space<vmem>>, vector<16xf32>,
        tpu.vector_store %arg8[%swap3A_471, %swap3A_472], %gather3A_467 {strides = array<i32>} : memref<32x512xf32, #tpu.memory_space<vmem>>, vector<16xf32>,
        %broadcast_in_dim3A_474 = arith.constant 22 : i32
        %broadcast_in_dim3A_475 = vector.broadcast %broadcast_in_dim3A_474 : i32 to vector<16xi32>
        %gather3A_476 = tpu.vector_load_idx %arg6[%add3A_278, %broadcast_in_dim3A_475] : memref<512x32xf32, #tpu.memory_space<vmem>>[vector<16xi32>, vector<16xi32>], vector<16xf32>,
        %mul3A_477 = arith.constant 16 : i32
        %mul3A_478 = arith.muli %mul3A_477, %scan3A_273 : i32
        %swap3A_479 = arith.constant 22 : i32
        %swap3A_480 = arith.index_cast %swap3A_479 : i32 to index
        %swap3A_481 = arith.index_cast %mul3A_478 : i32 to index
        %swap3A_482 = tpu.vector_load %arg8[%swap3A_480, %swap3A_481] {strides = array<i32>} : memref<32x512xf32, #tpu.memory_space<vmem>>, vector<16xf32>,
        tpu.vector_store %arg8[%swap3A_480, %swap3A_481], %gather3A_476 {strides = array<i32>} : memref<32x512xf32, #tpu.memory_space<vmem>>, vector<16xf32>,
        %broadcast_in_dim3A_483 = arith.constant 23 : i32
        %broadcast_in_dim3A_484 = vector.broadcast %broadcast_in_dim3A_483 : i32 to vector<16xi32>
        %gather3A_485 = tpu.vector_load_idx %arg6[%add3A_278, %broadcast_in_dim3A_484] : memref<512x32xf32, #tpu.memory_space<vmem>>[vector<16xi32>, vector<16xi32>], vector<16xf32>,
        %mul3A_486 = arith.constant 16 : i32
        %mul3A_487 = arith.muli %mul3A_486, %scan3A_273 : i32
        %swap3A_488 = arith.constant 23 : i32
        %swap3A_489 = arith.index_cast %swap3A_488 : i32 to index
        %swap3A_490 = arith.index_cast %mul3A_487 : i32 to index
        %swap3A_491 = tpu.vector_load %arg8[%swap3A_489, %swap3A_490] {strides = array<i32>} : memref<32x512xf32, #tpu.memory_space<vmem>>, vector<16xf32>,
        tpu.vector_store %arg8[%swap3A_489, %swap3A_490], %gather3A_485 {strides = array<i32>} : memref<32x512xf32, #tpu.memory_space<vmem>>, vector<16xf32>,
        %broadcast_in_dim3A_492 = arith.constant 24 : i32
        %broadcast_in_dim3A_493 = vector.broadcast %broadcast_in_dim3A_492 : i32 to vector<16xi32>
        %gather3A_494 = tpu.vector_load_idx %arg6[%add3A_278, %broadcast_in_dim3A_493] : memref<512x32xf32, #tpu.memory_space<vmem>>[vector<16xi32>, vector<16xi32>], vector<16xf32>,
        %mul3A_495 = arith.constant 16 : i32
        %mul3A_496 = arith.muli %mul3A_495, %scan3A_273 : i32
        %swap3A_497 = arith.constant 24 : i32
        %swap3A_498 = arith.index_cast %swap3A_497 : i32 to index
        %swap3A_499 = arith.index_cast %mul3A_496 : i32 to index
        %swap3A_500 = tpu.vector_load %arg8[%swap3A_498, %swap3A_499] {strides = array<i32>} : memref<32x512xf32, #tpu.memory_space<vmem>>, vector<16xf32>,
        tpu.vector_store %arg8[%swap3A_498, %swap3A_499], %gather3A_494 {strides = array<i32>} : memref<32x512xf32, #tpu.memory_space<vmem>>, vector<16xf32>,
        %broadcast_in_dim3A_501 = arith.constant 25 : i32
        %broadcast_in_dim3A_502 = vector.broadcast %broadcast_in_dim3A_501 : i32 to vector<16xi32>
        %gather3A_503 = tpu.vector_load_idx %arg6[%add3A_278, %broadcast_in_dim3A_502] : memref<512x32xf32, #tpu.memory_space<vmem>>[vector<16xi32>, vector<16xi32>], vector<16xf32>,
        %mul3A_504 = arith.constant 16 : i32
        %mul3A_505 = arith.muli %mul3A_504, %scan3A_273 : i32
        %swap3A_506 = arith.constant 25 : i32
        %swap3A_507 = arith.index_cast %swap3A_506 : i32 to index
        %swap3A_508 = arith.index_cast %mul3A_505 : i32 to index
        %swap3A_509 = tpu.vector_load %arg8[%swap3A_507, %swap3A_508] {strides = array<i32>} : memref<32x512xf32, #tpu.memory_space<vmem>>, vector<16xf32>,
        tpu.vector_store %arg8[%swap3A_507, %swap3A_508], %gather3A_503 {strides = array<i32>} : memref<32x512xf32, #tpu.memory_space<vmem>>, vector<16xf32>,
        %broadcast_in_dim3A_510 = arith.constant 26 : i32
        %broadcast_in_dim3A_511 = vector.broadcast %broadcast_in_dim3A_510 : i32 to vector<16xi32>
        %gather3A_512 = tpu.vector_load_idx %arg6[%add3A_278, %broadcast_in_dim3A_511] : memref<512x32xf32, #tpu.memory_space<vmem>>[vector<16xi32>, vector<16xi32>], vector<16xf32>,
        %mul3A_513 = arith.constant 16 : i32
        %mul3A_514 = arith.muli %mul3A_513, %scan3A_273 : i32
        %swap3A_515 = arith.constant 26 : i32
        %swap3A_516 = arith.index_cast %swap3A_515 : i32 to index
        %swap3A_517 = arith.index_cast %mul3A_514 : i32 to index
        %swap3A_518 = tpu.vector_load %arg8[%swap3A_516, %swap3A_517] {strides = array<i32>} : memref<32x512xf32, #tpu.memory_space<vmem>>, vector<16xf32>,
        tpu.vector_store %arg8[%swap3A_516, %swap3A_517], %gather3A_512 {strides = array<i32>} : memref<32x512xf32, #tpu.memory_space<vmem>>, vector<16xf32>,
        %broadcast_in_dim3A_519 = arith.constant 27 : i32
        %broadcast_in_dim3A_520 = vector.broadcast %broadcast_in_dim3A_519 : i32 to vector<16xi32>
        %gather3A_521 = tpu.vector_load_idx %arg6[%add3A_278, %broadcast_in_dim3A_520] : memref<512x32xf32, #tpu.memory_space<vmem>>[vector<16xi32>, vector<16xi32>], vector<16xf32>,
        %mul3A_522 = arith.constant 16 : i32
        %mul3A_523 = arith.muli %mul3A_522, %scan3A_273 : i32
        %swap3A_524 = arith.constant 27 : i32
        %swap3A_525 = arith.index_cast %swap3A_524 : i32 to index
        %swap3A_526 = arith.index_cast %mul3A_523 : i32 to index
        %swap3A_527 = tpu.vector_load %arg8[%swap3A_525, %swap3A_526] {strides = array<i32>} : memref<32x512xf32, #tpu.memory_space<vmem>>, vector<16xf32>,
        tpu.vector_store %arg8[%swap3A_525, %swap3A_526], %gather3A_521 {strides = array<i32>} : memref<32x512xf32, #tpu.memory_space<vmem>>, vector<16xf32>,
        %broadcast_in_dim3A_528 = arith.constant 28 : i32
        %broadcast_in_dim3A_529 = vector.broadcast %broadcast_in_dim3A_528 : i32 to vector<16xi32>
        %gather3A_530 = tpu.vector_load_idx %arg6[%add3A_278, %broadcast_in_dim3A_529] : memref<512x32xf32, #tpu.memory_space<vmem>>[vector<16xi32>, vector<16xi32>], vector<16xf32>,
        %mul3A_531 = arith.constant 16 : i32
        %mul3A_532 = arith.muli %mul3A_531, %scan3A_273 : i32
        %swap3A_533 = arith.constant 28 : i32
        %swap3A_534 = arith.index_cast %swap3A_533 : i32 to index
        %swap3A_535 = arith.index_cast %mul3A_532 : i32 to index
        %swap3A_536 = tpu.vector_load %arg8[%swap3A_534, %swap3A_535] {strides = array<i32>} : memref<32x512xf32, #tpu.memory_space<vmem>>, vector<16xf32>,
        tpu.vector_store %arg8[%swap3A_534, %swap3A_535], %gather3A_530 {strides = array<i32>} : memref<32x512xf32, #tpu.memory_space<vmem>>, vector<16xf32>,
        %broadcast_in_dim3A_537 = arith.constant 29 : i32
        %broadcast_in_dim3A_538 = vector.broadcast %broadcast_in_dim3A_537 : i32 to vector<16xi32>
        %gather3A_539 = tpu.vector_load_idx %arg6[%add3A_278, %broadcast_in_dim3A_538] : memref<512x32xf32, #tpu.memory_space<vmem>>[vector<16xi32>, vector<16xi32>], vector<16xf32>,
        %mul3A_540 = arith.constant 16 : i32
        %mul3A_541 = arith.muli %mul3A_540, %scan3A_273 : i32
        %swap3A_542 = arith.constant 29 : i32
        %swap3A_543 = arith.index_cast %swap3A_542 : i32 to index
        %swap3A_544 = arith.index_cast %mul3A_541 : i32 to index
        %swap3A_545 = tpu.vector_load %arg8[%swap3A_543, %swap3A_544] {strides = array<i32>} : memref<32x512xf32, #tpu.memory_space<vmem>>, vector<16xf32>,
        tpu.vector_store %arg8[%swap3A_543, %swap3A_544], %gather3A_539 {strides = array<i32>} : memref<32x512xf32, #tpu.memory_space<vmem>>, vector<16xf32>,
        %broadcast_in_dim3A_546 = arith.constant 30 : i32
        %broadcast_in_dim3A_547 = vector.broadcast %broadcast_in_dim3A_546 : i32 to vector<16xi32>
        %gather3A_548 = tpu.vector_load_idx %arg6[%add3A_278, %broadcast_in_dim3A_547] : memref<512x32xf32, #tpu.memory_space<vmem>>[vector<16xi32>, vector<16xi32>], vector<16xf32>,
        %mul3A_549 = arith.constant 16 : i32
        %mul3A_550 = arith.muli %mul3A_549, %scan3A_273 : i32
        %swap3A_551 = arith.constant 30 : i32
        %swap3A_552 = arith.index_cast %swap3A_551 : i32 to index
        %swap3A_553 = arith.index_cast %mul3A_550 : i32 to index
        %swap3A_554 = tpu.vector_load %arg8[%swap3A_552, %swap3A_553] {strides = array<i32>} : memref<32x512xf32, #tpu.memory_space<vmem>>, vector<16xf32>,
        tpu.vector_store %arg8[%swap3A_552, %swap3A_553], %gather3A_548 {strides = array<i32>} : memref<32x512xf32, #tpu.memory_space<vmem>>, vector<16xf32>,
        %broadcast_in_dim3A_555 = arith.constant 31 : i32
        %broadcast_in_dim3A_556 = vector.broadcast %broadcast_in_dim3A_555 : i32 to vector<16xi32>
        %gather3A_557 = tpu.vector_load_idx %arg6[%add3A_278, %broadcast_in_dim3A_556] : memref<512x32xf32, #tpu.memory_space<vmem>>[vector<16xi32>, vector<16xi32>], vector<16xf32>,
        %mul3A_558 = arith.constant 16 : i32
        %mul3A_559 = arith.muli %mul3A_558, %scan3A_273 : i32
        %swap3A_560 = arith.constant 31 : i32
        %swap3A_561 = arith.index_cast %swap3A_560 : i32 to index
        %swap3A_562 = arith.index_cast %mul3A_559 : i32 to index
        %swap3A_563 = tpu.vector_load %arg8[%swap3A_561, %swap3A_562] {strides = array<i32>} : memref<32x512xf32, #tpu.memory_space<vmem>>, vector<16xf32>,
        tpu.vector_store %arg8[%swap3A_561, %swap3A_562], %gather3A_557 {strides = array<i32>} : memref<32x512xf32, #tpu.memory_space<vmem>>, vector<16xf32>,
        %scan3A_564 = arith.constant 0 : i32
        scf.yield %scan3A_564 : i32
      }
      %scan3A_135 = arith.constant 32 : i32
      %mul3A_136 = arith.constant 50 : i32
      %mul3A_137 = arith.muli %add3A, %mul3A_136 : i32
      %add3A_138 = arith.addi %mul3A_137, %mul3A_118 : i32
      %jit3A_139 = arith.constant 32 : i32
      %div3A_140 = arith.divsi %add3A_138, %jit3A_139 : i32
      %sign3A_141 = arith.constant 0 : i32
      %sign3A_142 = arith.cmpi sgt, %add3A_138, %sign3A_141 : i32
      %sign3A_143 = arith.extui %sign3A_142 : i1 to i32
      %sign3A_144 = arith.constant 0 : i32
      %sign3A_145 = arith.cmpi slt, %add3A_138, %sign3A_144 : i32
      %sign3A_146 = arith.extui %sign3A_145 : i1 to i32
      %sign3A_147 = arith.subi %sign3A_143, %sign3A_146 : i32
      %sign3A_148 = arith.constant 0 : i32
      %sign3A_149 = arith.cmpi sgt, %jit3A_139, %sign3A_148 : i32
      %sign3A_150 = arith.extui %sign3A_149 : i1 to i32
      %sign3A_151 = arith.constant 0 : i32
      %sign3A_152 = arith.cmpi slt, %jit3A_139, %sign3A_151 : i32
      %sign3A_153 = arith.extui %sign3A_152 : i1 to i32
      %sign3A_154 = arith.subi %sign3A_150, %sign3A_153 : i32
      %ne3A_155 = arith.cmpi ne, %sign3A_147, %sign3A_154 : i32
      %rem3A_156 = arith.remsi %add3A_138, %jit3A_139 : i32
      %ne3A_157 = arith.constant 0 : i32
      %ne3A_158 = arith.cmpi ne, %rem3A_156, %ne3A_157 : i32
      %and3A_159 = arith.andi %ne3A_155, %ne3A_158 : i1
      %sub3A_160 = arith.constant 1 : i32
      %sub3A_161 = arith.subi %div3A_140, %sub3A_160 : i32
      %select_n3A_162 = arith.select %and3A_159, %sub3A_161, %div3A_140 : i32
      %jit3A_163 = arith.constant 32 : i32
      %eq3A_164 = arith.constant 0 : i32
      %eq3A_165 = arith.cmpi eq, %jit3A_163, %eq3A_164 : i32
      %jit3A_166 = arith.constant 1 : i32
      %select_n3A_167 = arith.select %eq3A_165, %jit3A_166, %jit3A_163 : i32
      %rem3A_168 = arith.remsi %add3A_138, %select_n3A_167 : i32
      %ne3A_169 = arith.constant 0 : i32
      %ne3A_170 = arith.cmpi ne, %rem3A_168, %ne3A_169 : i32
      %lt3A_171 = arith.constant 0 : i32
      %lt3A_172 = arith.cmpi slt, %rem3A_168, %lt3A_171 : i32
      %lt3A_173 = arith.constant 0 : i32
      %lt3A_174 = arith.cmpi slt, %select_n3A_167, %lt3A_173 : i32
      %ne3A_175 = arith.xori %lt3A_172, %lt3A_174 : i1
      %and3A_176 = arith.andi %ne3A_175, %ne3A_170 : i1
      %add3A_177 = arith.addi %rem3A_168, %select_n3A_167 : i32
      %select_n3A_178 = arith.select %and3A_176, %add3A_177, %rem3A_168 : i32
      %mul3A_179 = arith.constant 512 : i32
      %mul3A_180 = arith.muli %select_n3A_178, %mul3A_179 : i32
      %multiple_of3A_181 = tpu.assume_multiple %mul3A_180, 128 : i32
      %dma_start3A_182 = arith.constant 0 : i32
      %dma_start3A_183 = tpu.memref_slice %arg4[%select_n3A_162, %dma_start3A_182, %multiple_of3A_181] : memref<50x32x16384xf32, #tpu.memory_space<hbm>> -> memref<1x32x512xf32, #tpu.memory_space<hbm>>
      %dma_start3A_184 = tpu.memref_squeeze %dma_start3A_183 : memref<1x32x512xf32, #tpu.memory_space<hbm>> -> memref<32x512xf32, #tpu.memory_space<hbm>>
      %dma_start3A_185 = arith.constant 0 : i32
      %dma_start3A_186 = tpu.memref_slice %arg4[%select_n3A_162, %dma_start3A_185, %multiple_of3A_181] : memref<50x32x16384xf32, #tpu.memory_space<hbm>> -> memref<1x32x512xf32, #tpu.memory_space<hbm>>
      %dma_start3A_187 = tpu.memref_squeeze %dma_start3A_186 : memref<1x32x512xf32, #tpu.memory_space<hbm>> -> memref<32x512xf32, #tpu.memory_space<hbm>>
      tpu.enqueue_dma source(%arg8 : memref<32x512xf32, #tpu.memory_space<vmem>>) target(%dma_start3A_187 : memref<32x512xf32, #tpu.memory_space<hbm>>) target_semaphore(%arg12 : memref<!tpu.dma_semaphore, #tpu.memory_space<semaphore_mem>>)
      %add3A_188 = arith.constant 1 : i32
      %add3A_189 = arith.addi %scan3A_115, %add3A_188 : i32
      %lt3A_190 = arith.constant 25 : i32
      %lt3A_191 = arith.cmpi slt, %add3A_189, %lt3A_190 : i32
      %convert_element_type3A_192 = arith.extui %lt3A_191 : i1 to i32
      %cond3A_193 = arith.constant 0 : i32
      %cond3A_194 = arith.cmpi ne, %convert_element_type3A_192, %cond3A_193 : i32
      scf.if %cond3A_194 {
        %add3A_273 = arith.constant 2 : i32
        %add3A_274 = arith.addi %mul3A_118, %add3A_273 : i32
        %mul3A_275 = arith.constant 512 : i32
        %mul3A_276 = arith.muli %add3A_274, %mul3A_275 : i32
        %dma_start3A_277 = tpu.memref_slice %arg5[%mul3A_276] : memref<25600xi32, #tpu.memory_space<vmem>> -> memref<512xi32, #tpu.memory_space<vmem>>
        %dma_start3A_278 = arith.constant 0 : i32
        %dma_start3A_279 = arith.constant 0 : i32
        %dma_start3A_280 = tpu.memref_slice %arg3[%dma_start3A_278, %dma_start3A_279] : memref<1000000x32xf32, #tpu.memory_space<hbm>> -> memref<1000000x32xf32, #tpu.memory_space<hbm>>
        tpu.enqueue_indirect_dma source(%dma_start3A_280 : memref<1000000x32xf32, #tpu.memory_space<hbm>>) target(%arg6 : memref<512x32xf32, #tpu.memory_space<vmem>>) offsets(%dma_start3A_277 : memref<512xi32, #tpu.memory_space<vmem>>) semaphore(%arg10 : memref<!tpu.dma_semaphore, #tpu.memory_space<semaphore_mem>>)
      } else {
      }
      %mul3A_195 = arith.constant 512 : i32
      %mul3A_196 = arith.muli %add3A_120, %mul3A_195 : i32
      %dma_wait3A_197 = tpu.memref_slice %arg5[%mul3A_196] : memref<25600xi32, #tpu.memory_space<vmem>> -> memref<512xi32, #tpu.memory_space<vmem>>
      %dma_wait3A_198 = arith.constant 0 : i32
      %dma_wait3A_199 = arith.constant 0 : i32
      %dma_wait3A_200 = tpu.memref_slice %arg3[%dma_wait3A_198, %dma_wait3A_199] : memref<1000000x32xf32, #tpu.memory_space<hbm>> -> memref<1000000x32xf32, #tpu.memory_space<hbm>>
      tpu.wait_indirect_dma semaphore(%arg11 : memref<!tpu.dma_semaphore, #tpu.memory_space<semaphore_mem>>) src(%dma_wait3A_200 : memref<1000000x32xf32, #tpu.memory_space<hbm>>) dst(%arg7 : memref<512x32xf32, #tpu.memory_space<vmem>>)
      %gt3A_201 = arith.constant 0 : i32
      %gt3A_202 = arith.cmpi sgt, %scan3A_115, %gt3A_201 : i32
      %convert_element_type3A_203 = arith.extui %gt3A_202 : i1 to i32
      %cond3A_204 = arith.constant 0 : i32
      %cond3A_205 = arith.cmpi ne, %convert_element_type3A_203, %cond3A_204 : i32
      scf.if %cond3A_205 {
        %sub3A_273 = arith.constant 2 : i32
        %sub3A_274 = arith.subi %add3A_120, %sub3A_273 : i32
        %mul3A_275 = arith.constant 50 : i32
        %mul3A_276 = arith.muli %add3A, %mul3A_275 : i32
        %add3A_277 = arith.addi %mul3A_276, %sub3A_274 : i32
        %jit3A_278 = arith.constant 32 : i32
        %div3A_279 = arith.divsi %add3A_277, %jit3A_278 : i32
        %sign3A_280 = arith.constant 0 : i32
        %sign3A_281 = arith.cmpi sgt, %add3A_277, %sign3A_280 : i32
        %sign3A_282 = arith.extui %sign3A_281 : i1 to i32
        %sign3A_283 = arith.constant 0 : i32
        %sign3A_284 = arith.cmpi slt, %add3A_277, %sign3A_283 : i32
        %sign3A_285 = arith.extui %sign3A_284 : i1 to i32
        %sign3A_286 = arith.subi %sign3A_282, %sign3A_285 : i32
        %sign3A_287 = arith.constant 0 : i32
        %sign3A_288 = arith.cmpi sgt, %jit3A_278, %sign3A_287 : i32
        %sign3A_289 = arith.extui %sign3A_288 : i1 to i32
        %sign3A_290 = arith.constant 0 : i32
        %sign3A_291 = arith.cmpi slt, %jit3A_278, %sign3A_290 : i32
        %sign3A_292 = arith.extui %sign3A_291 : i1 to i32
        %sign3A_293 = arith.subi %sign3A_289, %sign3A_292 : i32
        %ne3A_294 = arith.cmpi ne, %sign3A_286, %sign3A_293 : i32
        %rem3A_295 = arith.remsi %add3A_277, %jit3A_278 : i32
        %ne3A_296 = arith.constant 0 : i32
        %ne3A_297 = arith.cmpi ne, %rem3A_295, %ne3A_296 : i32
        %and3A_298 = arith.andi %ne3A_294, %ne3A_297 : i1
        %sub3A_299 = arith.constant 1 : i32
        %sub3A_300 = arith.subi %div3A_279, %sub3A_299 : i32
        %select_n3A_301 = arith.select %and3A_298, %sub3A_300, %div3A_279 : i32
        %jit3A_302 = arith.constant 32 : i32
        %eq3A_303 = arith.constant 0 : i32
        %eq3A_304 = arith.cmpi eq, %jit3A_302, %eq3A_303 : i32
        %jit3A_305 = arith.constant 1 : i32
        %select_n3A_306 = arith.select %eq3A_304, %jit3A_305, %jit3A_302 : i32
        %rem3A_307 = arith.remsi %add3A_277, %select_n3A_306 : i32
        %ne3A_308 = arith.constant 0 : i32
        %ne3A_309 = arith.cmpi ne, %rem3A_307, %ne3A_308 : i32
        %lt3A_310 = arith.constant 0 : i32
        %lt3A_311 = arith.cmpi slt, %rem3A_307, %lt3A_310 : i32
        %lt3A_312 = arith.constant 0 : i32
        %lt3A_313 = arith.cmpi slt, %select_n3A_306, %lt3A_312 : i32
        %ne3A_314 = arith.xori %lt3A_311, %lt3A_313 : i1
        %and3A_315 = arith.andi %ne3A_314, %ne3A_309 : i1
        %add3A_316 = arith.addi %rem3A_307, %select_n3A_306 : i32
        %select_n3A_317 = arith.select %and3A_315, %add3A_316, %rem3A_307 : i32
        %mul3A_318 = arith.constant 512 : i32
        %mul3A_319 = arith.muli %select_n3A_317, %mul3A_318 : i32
        %multiple_of3A_320 = tpu.assume_multiple %mul3A_319, 128 : i32
        %dma_wait3A_321 = arith.constant 0 : i32
        %dma_wait3A_322 = tpu.memref_slice %arg4[%select_n3A_301, %dma_wait3A_321, %multiple_of3A_320] : memref<50x32x16384xf32, #tpu.memory_space<hbm>> -> memref<1x32x512xf32, #tpu.memory_space<hbm>>
        %dma_wait3A_323 = tpu.memref_squeeze %dma_wait3A_322 : memref<1x32x512xf32, #tpu.memory_space<hbm>> -> memref<32x512xf32, #tpu.memory_space<hbm>>
        %dma_wait3A_324 = arith.constant 0 : i32
        %dma_wait3A_325 = tpu.memref_slice %arg4[%select_n3A_301, %dma_wait3A_324, %multiple_of3A_320] : memref<50x32x16384xf32, #tpu.memory_space<hbm>> -> memref<1x32x512xf32, #tpu.memory_space<hbm>>
        %dma_wait3A_326 = tpu.memref_squeeze %dma_wait3A_325 : memref<1x32x512xf32, #tpu.memory_space<hbm>> -> memref<32x512xf32, #tpu.memory_space<hbm>>
        tpu.wait_dma2 semaphore(%arg13 : memref<!tpu.dma_semaphore, #tpu.memory_space<semaphore_mem>>) src(%arg9 : memref<32x512xf32, #tpu.memory_space<vmem>>) dst(%dma_wait3A_326 : memref<32x512xf32, #tpu.memory_space<hbm>>)
      } else {
      }
      %scan3A_206 = arith.constant 0 : i32
      %scan3A_207 = arith.constant 0 : i32
      %scan3A_208 = arith.constant 32 : i32
      %scan3A_209 = arith.addi %scan3A_207, %scan3A_208 : i32
      %scan3A_210 = arith.constant 1 : i32
      %scan3A_211 = scf.for %scan3A_273 = %scan3A_207 to %scan3A_209 step %scan3A_210 iter_args(%scan3A_274 = %scan3A_206) -> (i32)  : i32 {
        %iota3A = tpu.iota {dimensions = array<i32: 0>} : vector<16xi32>
        %mul3A_275 = arith.constant 16 : i32
        %mul3A_276 = arith.muli %mul3A_275, %scan3A_273 : i32
        %add3A_277 = vector.broadcast %mul3A_276 : i32 to vector<16xi32>
        %add3A_278 = arith.addi %iota3A, %add3A_277 : vector<16xi32>
        %broadcast_in_dim3A = arith.constant 0 : i32
        %broadcast_in_dim3A_279 = vector.broadcast %broadcast_in_dim3A : i32 to vector<16xi32>
        %gather3A = tpu.vector_load_idx %arg7[%add3A_278, %broadcast_in_dim3A_279] : memref<512x32xf32, #tpu.memory_space<vmem>>[vector<16xi32>, vector<16xi32>], vector<16xf32>,
        %mul3A_280 = arith.constant 16 : i32
        %mul3A_281 = arith.muli %mul3A_280, %scan3A_273 : i32
        %swap3A = arith.constant 0 : i32
        %swap3A_282 = arith.index_cast %swap3A : i32 to index
        %swap3A_283 = arith.index_cast %mul3A_281 : i32 to index
        %swap3A_284 = tpu.vector_load %arg9[%swap3A_282, %swap3A_283] {strides = array<i32>} : memref<32x512xf32, #tpu.memory_space<vmem>>, vector<16xf32>,
        tpu.vector_store %arg9[%swap3A_282, %swap3A_283], %gather3A {strides = array<i32>} : memref<32x512xf32, #tpu.memory_space<vmem>>, vector<16xf32>,
        %broadcast_in_dim3A_285 = arith.constant 1 : i32
        %broadcast_in_dim3A_286 = vector.broadcast %broadcast_in_dim3A_285 : i32 to vector<16xi32>
        %gather3A_287 = tpu.vector_load_idx %arg7[%add3A_278, %broadcast_in_dim3A_286] : memref<512x32xf32, #tpu.memory_space<vmem>>[vector<16xi32>, vector<16xi32>], vector<16xf32>,
        %mul3A_288 = arith.constant 16 : i32
        %mul3A_289 = arith.muli %mul3A_288, %scan3A_273 : i32
        %swap3A_290 = arith.constant 1 : i32
        %swap3A_291 = arith.index_cast %swap3A_290 : i32 to index
        %swap3A_292 = arith.index_cast %mul3A_289 : i32 to index
        %swap3A_293 = tpu.vector_load %arg9[%swap3A_291, %swap3A_292] {strides = array<i32>} : memref<32x512xf32, #tpu.memory_space<vmem>>, vector<16xf32>,
        tpu.vector_store %arg9[%swap3A_291, %swap3A_292], %gather3A_287 {strides = array<i32>} : memref<32x512xf32, #tpu.memory_space<vmem>>, vector<16xf32>,
        %broadcast_in_dim3A_294 = arith.constant 2 : i32
        %broadcast_in_dim3A_295 = vector.broadcast %broadcast_in_dim3A_294 : i32 to vector<16xi32>
        %gather3A_296 = tpu.vector_load_idx %arg7[%add3A_278, %broadcast_in_dim3A_295] : memref<512x32xf32, #tpu.memory_space<vmem>>[vector<16xi32>, vector<16xi32>], vector<16xf32>,
        %mul3A_297 = arith.constant 16 : i32
        %mul3A_298 = arith.muli %mul3A_297, %scan3A_273 : i32
        %swap3A_299 = arith.constant 2 : i32
        %swap3A_300 = arith.index_cast %swap3A_299 : i32 to index
        %swap3A_301 = arith.index_cast %mul3A_298 : i32 to index
        %swap3A_302 = tpu.vector_load %arg9[%swap3A_300, %swap3A_301] {strides = array<i32>} : memref<32x512xf32, #tpu.memory_space<vmem>>, vector<16xf32>,
        tpu.vector_store %arg9[%swap3A_300, %swap3A_301], %gather3A_296 {strides = array<i32>} : memref<32x512xf32, #tpu.memory_space<vmem>>, vector<16xf32>,
        %broadcast_in_dim3A_303 = arith.constant 3 : i32
        %broadcast_in_dim3A_304 = vector.broadcast %broadcast_in_dim3A_303 : i32 to vector<16xi32>
        %gather3A_305 = tpu.vector_load_idx %arg7[%add3A_278, %broadcast_in_dim3A_304] : memref<512x32xf32, #tpu.memory_space<vmem>>[vector<16xi32>, vector<16xi32>], vector<16xf32>,
        %mul3A_306 = arith.constant 16 : i32
        %mul3A_307 = arith.muli %mul3A_306, %scan3A_273 : i32
        %swap3A_308 = arith.constant 3 : i32
        %swap3A_309 = arith.index_cast %swap3A_308 : i32 to index
        %swap3A_310 = arith.index_cast %mul3A_307 : i32 to index
        %swap3A_311 = tpu.vector_load %arg9[%swap3A_309, %swap3A_310] {strides = array<i32>} : memref<32x512xf32, #tpu.memory_space<vmem>>, vector<16xf32>,
        tpu.vector_store %arg9[%swap3A_309, %swap3A_310], %gather3A_305 {strides = array<i32>} : memref<32x512xf32, #tpu.memory_space<vmem>>, vector<16xf32>,
        %broadcast_in_dim3A_312 = arith.constant 4 : i32
        %broadcast_in_dim3A_313 = vector.broadcast %broadcast_in_dim3A_312 : i32 to vector<16xi32>
        %gather3A_314 = tpu.vector_load_idx %arg7[%add3A_278, %broadcast_in_dim3A_313] : memref<512x32xf32, #tpu.memory_space<vmem>>[vector<16xi32>, vector<16xi32>], vector<16xf32>,
        %mul3A_315 = arith.constant 16 : i32
        %mul3A_316 = arith.muli %mul3A_315, %scan3A_273 : i32
        %swap3A_317 = arith.constant 4 : i32
        %swap3A_318 = arith.index_cast %swap3A_317 : i32 to index
        %swap3A_319 = arith.index_cast %mul3A_316 : i32 to index
        %swap3A_320 = tpu.vector_load %arg9[%swap3A_318, %swap3A_319] {strides = array<i32>} : memref<32x512xf32, #tpu.memory_space<vmem>>, vector<16xf32>,
        tpu.vector_store %arg9[%swap3A_318, %swap3A_319], %gather3A_314 {strides = array<i32>} : memref<32x512xf32, #tpu.memory_space<vmem>>, vector<16xf32>,
        %broadcast_in_dim3A_321 = arith.constant 5 : i32
        %broadcast_in_dim3A_322 = vector.broadcast %broadcast_in_dim3A_321 : i32 to vector<16xi32>
        %gather3A_323 = tpu.vector_load_idx %arg7[%add3A_278, %broadcast_in_dim3A_322] : memref<512x32xf32, #tpu.memory_space<vmem>>[vector<16xi32>, vector<16xi32>], vector<16xf32>,
        %mul3A_324 = arith.constant 16 : i32
        %mul3A_325 = arith.muli %mul3A_324, %scan3A_273 : i32
        %swap3A_326 = arith.constant 5 : i32
        %swap3A_327 = arith.index_cast %swap3A_326 : i32 to index
        %swap3A_328 = arith.index_cast %mul3A_325 : i32 to index
        %swap3A_329 = tpu.vector_load %arg9[%swap3A_327, %swap3A_328] {strides = array<i32>} : memref<32x512xf32, #tpu.memory_space<vmem>>, vector<16xf32>,
        tpu.vector_store %arg9[%swap3A_327, %swap3A_328], %gather3A_323 {strides = array<i32>} : memref<32x512xf32, #tpu.memory_space<vmem>>, vector<16xf32>,
        %broadcast_in_dim3A_330 = arith.constant 6 : i32
        %broadcast_in_dim3A_331 = vector.broadcast %broadcast_in_dim3A_330 : i32 to vector<16xi32>
        %gather3A_332 = tpu.vector_load_idx %arg7[%add3A_278, %broadcast_in_dim3A_331] : memref<512x32xf32, #tpu.memory_space<vmem>>[vector<16xi32>, vector<16xi32>], vector<16xf32>,
        %mul3A_333 = arith.constant 16 : i32
        %mul3A_334 = arith.muli %mul3A_333, %scan3A_273 : i32
        %swap3A_335 = arith.constant 6 : i32
        %swap3A_336 = arith.index_cast %swap3A_335 : i32 to index
        %swap3A_337 = arith.index_cast %mul3A_334 : i32 to index
        %swap3A_338 = tpu.vector_load %arg9[%swap3A_336, %swap3A_337] {strides = array<i32>} : memref<32x512xf32, #tpu.memory_space<vmem>>, vector<16xf32>,
        tpu.vector_store %arg9[%swap3A_336, %swap3A_337], %gather3A_332 {strides = array<i32>} : memref<32x512xf32, #tpu.memory_space<vmem>>, vector<16xf32>,
        %broadcast_in_dim3A_339 = arith.constant 7 : i32
        %broadcast_in_dim3A_340 = vector.broadcast %broadcast_in_dim3A_339 : i32 to vector<16xi32>
        %gather3A_341 = tpu.vector_load_idx %arg7[%add3A_278, %broadcast_in_dim3A_340] : memref<512x32xf32, #tpu.memory_space<vmem>>[vector<16xi32>, vector<16xi32>], vector<16xf32>,
        %mul3A_342 = arith.constant 16 : i32
        %mul3A_343 = arith.muli %mul3A_342, %scan3A_273 : i32
        %swap3A_344 = arith.constant 7 : i32
        %swap3A_345 = arith.index_cast %swap3A_344 : i32 to index
        %swap3A_346 = arith.index_cast %mul3A_343 : i32 to index
        %swap3A_347 = tpu.vector_load %arg9[%swap3A_345, %swap3A_346] {strides = array<i32>} : memref<32x512xf32, #tpu.memory_space<vmem>>, vector<16xf32>,
        tpu.vector_store %arg9[%swap3A_345, %swap3A_346], %gather3A_341 {strides = array<i32>} : memref<32x512xf32, #tpu.memory_space<vmem>>, vector<16xf32>,
        %broadcast_in_dim3A_348 = arith.constant 8 : i32
        %broadcast_in_dim3A_349 = vector.broadcast %broadcast_in_dim3A_348 : i32 to vector<16xi32>
        %gather3A_350 = tpu.vector_load_idx %arg7[%add3A_278, %broadcast_in_dim3A_349] : memref<512x32xf32, #tpu.memory_space<vmem>>[vector<16xi32>, vector<16xi32>], vector<16xf32>,
        %mul3A_351 = arith.constant 16 : i32
        %mul3A_352 = arith.muli %mul3A_351, %scan3A_273 : i32
        %swap3A_353 = arith.constant 8 : i32
        %swap3A_354 = arith.index_cast %swap3A_353 : i32 to index
        %swap3A_355 = arith.index_cast %mul3A_352 : i32 to index
        %swap3A_356 = tpu.vector_load %arg9[%swap3A_354, %swap3A_355] {strides = array<i32>} : memref<32x512xf32, #tpu.memory_space<vmem>>, vector<16xf32>,
        tpu.vector_store %arg9[%swap3A_354, %swap3A_355], %gather3A_350 {strides = array<i32>} : memref<32x512xf32, #tpu.memory_space<vmem>>, vector<16xf32>,
        %broadcast_in_dim3A_357 = arith.constant 9 : i32
        %broadcast_in_dim3A_358 = vector.broadcast %broadcast_in_dim3A_357 : i32 to vector<16xi32>
        %gather3A_359 = tpu.vector_load_idx %arg7[%add3A_278, %broadcast_in_dim3A_358] : memref<512x32xf32, #tpu.memory_space<vmem>>[vector<16xi32>, vector<16xi32>], vector<16xf32>,
        %mul3A_360 = arith.constant 16 : i32
        %mul3A_361 = arith.muli %mul3A_360, %scan3A_273 : i32
        %swap3A_362 = arith.constant 9 : i32
        %swap3A_363 = arith.index_cast %swap3A_362 : i32 to index
        %swap3A_364 = arith.index_cast %mul3A_361 : i32 to index
        %swap3A_365 = tpu.vector_load %arg9[%swap3A_363, %swap3A_364] {strides = array<i32>} : memref<32x512xf32, #tpu.memory_space<vmem>>, vector<16xf32>,
        tpu.vector_store %arg9[%swap3A_363, %swap3A_364], %gather3A_359 {strides = array<i32>} : memref<32x512xf32, #tpu.memory_space<vmem>>, vector<16xf32>,
        %broadcast_in_dim3A_366 = arith.constant 10 : i32
        %broadcast_in_dim3A_367 = vector.broadcast %broadcast_in_dim3A_366 : i32 to vector<16xi32>
        %gather3A_368 = tpu.vector_load_idx %arg7[%add3A_278, %broadcast_in_dim3A_367] : memref<512x32xf32, #tpu.memory_space<vmem>>[vector<16xi32>, vector<16xi32>], vector<16xf32>,
        %mul3A_369 = arith.constant 16 : i32
        %mul3A_370 = arith.muli %mul3A_369, %scan3A_273 : i32
        %swap3A_371 = arith.constant 10 : i32
        %swap3A_372 = arith.index_cast %swap3A_371 : i32 to index
        %swap3A_373 = arith.index_cast %mul3A_370 : i32 to index
        %swap3A_374 = tpu.vector_load %arg9[%swap3A_372, %swap3A_373] {strides = array<i32>} : memref<32x512xf32, #tpu.memory_space<vmem>>, vector<16xf32>,
        tpu.vector_store %arg9[%swap3A_372, %swap3A_373], %gather3A_368 {strides = array<i32>} : memref<32x512xf32, #tpu.memory_space<vmem>>, vector<16xf32>,
        %broadcast_in_dim3A_375 = arith.constant 11 : i32
        %broadcast_in_dim3A_376 = vector.broadcast %broadcast_in_dim3A_375 : i32 to vector<16xi32>
        %gather3A_377 = tpu.vector_load_idx %arg7[%add3A_278, %broadcast_in_dim3A_376] : memref<512x32xf32, #tpu.memory_space<vmem>>[vector<16xi32>, vector<16xi32>], vector<16xf32>,
        %mul3A_378 = arith.constant 16 : i32
        %mul3A_379 = arith.muli %mul3A_378, %scan3A_273 : i32
        %swap3A_380 = arith.constant 11 : i32
        %swap3A_381 = arith.index_cast %swap3A_380 : i32 to index
        %swap3A_382 = arith.index_cast %mul3A_379 : i32 to index
        %swap3A_383 = tpu.vector_load %arg9[%swap3A_381, %swap3A_382] {strides = array<i32>} : memref<32x512xf32, #tpu.memory_space<vmem>>, vector<16xf32>,
        tpu.vector_store %arg9[%swap3A_381, %swap3A_382], %gather3A_377 {strides = array<i32>} : memref<32x512xf32, #tpu.memory_space<vmem>>, vector<16xf32>,
        %broadcast_in_dim3A_384 = arith.constant 12 : i32
        %broadcast_in_dim3A_385 = vector.broadcast %broadcast_in_dim3A_384 : i32 to vector<16xi32>
        %gather3A_386 = tpu.vector_load_idx %arg7[%add3A_278, %broadcast_in_dim3A_385] : memref<512x32xf32, #tpu.memory_space<vmem>>[vector<16xi32>, vector<16xi32>], vector<16xf32>,
        %mul3A_387 = arith.constant 16 : i32
        %mul3A_388 = arith.muli %mul3A_387, %scan3A_273 : i32
        %swap3A_389 = arith.constant 12 : i32
        %swap3A_390 = arith.index_cast %swap3A_389 : i32 to index
        %swap3A_391 = arith.index_cast %mul3A_388 : i32 to index
        %swap3A_392 = tpu.vector_load %arg9[%swap3A_390, %swap3A_391] {strides = array<i32>} : memref<32x512xf32, #tpu.memory_space<vmem>>, vector<16xf32>,
        tpu.vector_store %arg9[%swap3A_390, %swap3A_391], %gather3A_386 {strides = array<i32>} : memref<32x512xf32, #tpu.memory_space<vmem>>, vector<16xf32>,
        %broadcast_in_dim3A_393 = arith.constant 13 : i32
        %broadcast_in_dim3A_394 = vector.broadcast %broadcast_in_dim3A_393 : i32 to vector<16xi32>
        %gather3A_395 = tpu.vector_load_idx %arg7[%add3A_278, %broadcast_in_dim3A_394] : memref<512x32xf32, #tpu.memory_space<vmem>>[vector<16xi32>, vector<16xi32>], vector<16xf32>,
        %mul3A_396 = arith.constant 16 : i32
        %mul3A_397 = arith.muli %mul3A_396, %scan3A_273 : i32
        %swap3A_398 = arith.constant 13 : i32
        %swap3A_399 = arith.index_cast %swap3A_398 : i32 to index
        %swap3A_400 = arith.index_cast %mul3A_397 : i32 to index
        %swap3A_401 = tpu.vector_load %arg9[%swap3A_399, %swap3A_400] {strides = array<i32>} : memref<32x512xf32, #tpu.memory_space<vmem>>, vector<16xf32>,
        tpu.vector_store %arg9[%swap3A_399, %swap3A_400], %gather3A_395 {strides = array<i32>} : memref<32x512xf32, #tpu.memory_space<vmem>>, vector<16xf32>,
        %broadcast_in_dim3A_402 = arith.constant 14 : i32
        %broadcast_in_dim3A_403 = vector.broadcast %broadcast_in_dim3A_402 : i32 to vector<16xi32>
        %gather3A_404 = tpu.vector_load_idx %arg7[%add3A_278, %broadcast_in_dim3A_403] : memref<512x32xf32, #tpu.memory_space<vmem>>[vector<16xi32>, vector<16xi32>], vector<16xf32>,
        %mul3A_405 = arith.constant 16 : i32
        %mul3A_406 = arith.muli %mul3A_405, %scan3A_273 : i32
        %swap3A_407 = arith.constant 14 : i32
        %swap3A_408 = arith.index_cast %swap3A_407 : i32 to index
        %swap3A_409 = arith.index_cast %mul3A_406 : i32 to index
        %swap3A_410 = tpu.vector_load %arg9[%swap3A_408, %swap3A_409] {strides = array<i32>} : memref<32x512xf32, #tpu.memory_space<vmem>>, vector<16xf32>,
        tpu.vector_store %arg9[%swap3A_408, %swap3A_409], %gather3A_404 {strides = array<i32>} : memref<32x512xf32, #tpu.memory_space<vmem>>, vector<16xf32>,
        %broadcast_in_dim3A_411 = arith.constant 15 : i32
        %broadcast_in_dim3A_412 = vector.broadcast %broadcast_in_dim3A_411 : i32 to vector<16xi32>
        %gather3A_413 = tpu.vector_load_idx %arg7[%add3A_278, %broadcast_in_dim3A_412] : memref<512x32xf32, #tpu.memory_space<vmem>>[vector<16xi32>, vector<16xi32>], vector<16xf32>,
        %mul3A_414 = arith.constant 16 : i32
        %mul3A_415 = arith.muli %mul3A_414, %scan3A_273 : i32
        %swap3A_416 = arith.constant 15 : i32
        %swap3A_417 = arith.index_cast %swap3A_416 : i32 to index
        %swap3A_418 = arith.index_cast %mul3A_415 : i32 to index
        %swap3A_419 = tpu.vector_load %arg9[%swap3A_417, %swap3A_418] {strides = array<i32>} : memref<32x512xf32, #tpu.memory_space<vmem>>, vector<16xf32>,
        tpu.vector_store %arg9[%swap3A_417, %swap3A_418], %gather3A_413 {strides = array<i32>} : memref<32x512xf32, #tpu.memory_space<vmem>>, vector<16xf32>,
        %broadcast_in_dim3A_420 = arith.constant 16 : i32
        %broadcast_in_dim3A_421 = vector.broadcast %broadcast_in_dim3A_420 : i32 to vector<16xi32>
        %gather3A_422 = tpu.vector_load_idx %arg7[%add3A_278, %broadcast_in_dim3A_421] : memref<512x32xf32, #tpu.memory_space<vmem>>[vector<16xi32>, vector<16xi32>], vector<16xf32>,
        %mul3A_423 = arith.constant 16 : i32
        %mul3A_424 = arith.muli %mul3A_423, %scan3A_273 : i32
        %swap3A_425 = arith.constant 16 : i32
        %swap3A_426 = arith.index_cast %swap3A_425 : i32 to index
        %swap3A_427 = arith.index_cast %mul3A_424 : i32 to index
        %swap3A_428 = tpu.vector_load %arg9[%swap3A_426, %swap3A_427] {strides = array<i32>} : memref<32x512xf32, #tpu.memory_space<vmem>>, vector<16xf32>,
        tpu.vector_store %arg9[%swap3A_426, %swap3A_427], %gather3A_422 {strides = array<i32>} : memref<32x512xf32, #tpu.memory_space<vmem>>, vector<16xf32>,
        %broadcast_in_dim3A_429 = arith.constant 17 : i32
        %broadcast_in_dim3A_430 = vector.broadcast %broadcast_in_dim3A_429 : i32 to vector<16xi32>
        %gather3A_431 = tpu.vector_load_idx %arg7[%add3A_278, %broadcast_in_dim3A_430] : memref<512x32xf32, #tpu.memory_space<vmem>>[vector<16xi32>, vector<16xi32>], vector<16xf32>,
        %mul3A_432 = arith.constant 16 : i32
        %mul3A_433 = arith.muli %mul3A_432, %scan3A_273 : i32
        %swap3A_434 = arith.constant 17 : i32
        %swap3A_435 = arith.index_cast %swap3A_434 : i32 to index
        %swap3A_436 = arith.index_cast %mul3A_433 : i32 to index
        %swap3A_437 = tpu.vector_load %arg9[%swap3A_435, %swap3A_436] {strides = array<i32>} : memref<32x512xf32, #tpu.memory_space<vmem>>, vector<16xf32>,
        tpu.vector_store %arg9[%swap3A_435, %swap3A_436], %gather3A_431 {strides = array<i32>} : memref<32x512xf32, #tpu.memory_space<vmem>>, vector<16xf32>,
        %broadcast_in_dim3A_438 = arith.constant 18 : i32
        %broadcast_in_dim3A_439 = vector.broadcast %broadcast_in_dim3A_438 : i32 to vector<16xi32>
        %gather3A_440 = tpu.vector_load_idx %arg7[%add3A_278, %broadcast_in_dim3A_439] : memref<512x32xf32, #tpu.memory_space<vmem>>[vector<16xi32>, vector<16xi32>], vector<16xf32>,
        %mul3A_441 = arith.constant 16 : i32
        %mul3A_442 = arith.muli %mul3A_441, %scan3A_273 : i32
        %swap3A_443 = arith.constant 18 : i32
        %swap3A_444 = arith.index_cast %swap3A_443 : i32 to index
        %swap3A_445 = arith.index_cast %mul3A_442 : i32 to index
        %swap3A_446 = tpu.vector_load %arg9[%swap3A_444, %swap3A_445] {strides = array<i32>} : memref<32x512xf32, #tpu.memory_space<vmem>>, vector<16xf32>,
        tpu.vector_store %arg9[%swap3A_444, %swap3A_445], %gather3A_440 {strides = array<i32>} : memref<32x512xf32, #tpu.memory_space<vmem>>, vector<16xf32>,
        %broadcast_in_dim3A_447 = arith.constant 19 : i32
        %broadcast_in_dim3A_448 = vector.broadcast %broadcast_in_dim3A_447 : i32 to vector<16xi32>
        %gather3A_449 = tpu.vector_load_idx %arg7[%add3A_278, %broadcast_in_dim3A_448] : memref<512x32xf32, #tpu.memory_space<vmem>>[vector<16xi32>, vector<16xi32>], vector<16xf32>,
        %mul3A_450 = arith.constant 16 : i32
        %mul3A_451 = arith.muli %mul3A_450, %scan3A_273 : i32
        %swap3A_452 = arith.constant 19 : i32
        %swap3A_453 = arith.index_cast %swap3A_452 : i32 to index
        %swap3A_454 = arith.index_cast %mul3A_451 : i32 to index
        %swap3A_455 = tpu.vector_load %arg9[%swap3A_453, %swap3A_454] {strides = array<i32>} : memref<32x512xf32, #tpu.memory_space<vmem>>, vector<16xf32>,
        tpu.vector_store %arg9[%swap3A_453, %swap3A_454], %gather3A_449 {strides = array<i32>} : memref<32x512xf32, #tpu.memory_space<vmem>>, vector<16xf32>,
        %broadcast_in_dim3A_456 = arith.constant 20 : i32
        %broadcast_in_dim3A_457 = vector.broadcast %broadcast_in_dim3A_456 : i32 to vector<16xi32>
        %gather3A_458 = tpu.vector_load_idx %arg7[%add3A_278, %broadcast_in_dim3A_457] : memref<512x32xf32, #tpu.memory_space<vmem>>[vector<16xi32>, vector<16xi32>], vector<16xf32>,
        %mul3A_459 = arith.constant 16 : i32
        %mul3A_460 = arith.muli %mul3A_459, %scan3A_273 : i32
        %swap3A_461 = arith.constant 20 : i32
        %swap3A_462 = arith.index_cast %swap3A_461 : i32 to index
        %swap3A_463 = arith.index_cast %mul3A_460 : i32 to index
        %swap3A_464 = tpu.vector_load %arg9[%swap3A_462, %swap3A_463] {strides = array<i32>} : memref<32x512xf32, #tpu.memory_space<vmem>>, vector<16xf32>,
        tpu.vector_store %arg9[%swap3A_462, %swap3A_463], %gather3A_458 {strides = array<i32>} : memref<32x512xf32, #tpu.memory_space<vmem>>, vector<16xf32>,
        %broadcast_in_dim3A_465 = arith.constant 21 : i32
        %broadcast_in_dim3A_466 = vector.broadcast %broadcast_in_dim3A_465 : i32 to vector<16xi32>
        %gather3A_467 = tpu.vector_load_idx %arg7[%add3A_278, %broadcast_in_dim3A_466] : memref<512x32xf32, #tpu.memory_space<vmem>>[vector<16xi32>, vector<16xi32>], vector<16xf32>,
        %mul3A_468 = arith.constant 16 : i32
        %mul3A_469 = arith.muli %mul3A_468, %scan3A_273 : i32
        %swap3A_470 = arith.constant 21 : i32
        %swap3A_471 = arith.index_cast %swap3A_470 : i32 to index
        %swap3A_472 = arith.index_cast %mul3A_469 : i32 to index
        %swap3A_473 = tpu.vector_load %arg9[%swap3A_471, %swap3A_472] {strides = array<i32>} : memref<32x512xf32, #tpu.memory_space<vmem>>, vector<16xf32>,
        tpu.vector_store %arg9[%swap3A_471, %swap3A_472], %gather3A_467 {strides = array<i32>} : memref<32x512xf32, #tpu.memory_space<vmem>>, vector<16xf32>,
        %broadcast_in_dim3A_474 = arith.constant 22 : i32
        %broadcast_in_dim3A_475 = vector.broadcast %broadcast_in_dim3A_474 : i32 to vector<16xi32>
        %gather3A_476 = tpu.vector_load_idx %arg7[%add3A_278, %broadcast_in_dim3A_475] : memref<512x32xf32, #tpu.memory_space<vmem>>[vector<16xi32>, vector<16xi32>], vector<16xf32>,
        %mul3A_477 = arith.constant 16 : i32
        %mul3A_478 = arith.muli %mul3A_477, %scan3A_273 : i32
        %swap3A_479 = arith.constant 22 : i32
        %swap3A_480 = arith.index_cast %swap3A_479 : i32 to index
        %swap3A_481 = arith.index_cast %mul3A_478 : i32 to index
        %swap3A_482 = tpu.vector_load %arg9[%swap3A_480, %swap3A_481] {strides = array<i32>} : memref<32x512xf32, #tpu.memory_space<vmem>>, vector<16xf32>,
        tpu.vector_store %arg9[%swap3A_480, %swap3A_481], %gather3A_476 {strides = array<i32>} : memref<32x512xf32, #tpu.memory_space<vmem>>, vector<16xf32>,
        %broadcast_in_dim3A_483 = arith.constant 23 : i32
        %broadcast_in_dim3A_484 = vector.broadcast %broadcast_in_dim3A_483 : i32 to vector<16xi32>
        %gather3A_485 = tpu.vector_load_idx %arg7[%add3A_278, %broadcast_in_dim3A_484] : memref<512x32xf32, #tpu.memory_space<vmem>>[vector<16xi32>, vector<16xi32>], vector<16xf32>,
        %mul3A_486 = arith.constant 16 : i32
        %mul3A_487 = arith.muli %mul3A_486, %scan3A_273 : i32
        %swap3A_488 = arith.constant 23 : i32
        %swap3A_489 = arith.index_cast %swap3A_488 : i32 to index
        %swap3A_490 = arith.index_cast %mul3A_487 : i32 to index
        %swap3A_491 = tpu.vector_load %arg9[%swap3A_489, %swap3A_490] {strides = array<i32>} : memref<32x512xf32, #tpu.memory_space<vmem>>, vector<16xf32>,
        tpu.vector_store %arg9[%swap3A_489, %swap3A_490], %gather3A_485 {strides = array<i32>} : memref<32x512xf32, #tpu.memory_space<vmem>>, vector<16xf32>,
        %broadcast_in_dim3A_492 = arith.constant 24 : i32
        %broadcast_in_dim3A_493 = vector.broadcast %broadcast_in_dim3A_492 : i32 to vector<16xi32>
        %gather3A_494 = tpu.vector_load_idx %arg7[%add3A_278, %broadcast_in_dim3A_493] : memref<512x32xf32, #tpu.memory_space<vmem>>[vector<16xi32>, vector<16xi32>], vector<16xf32>,
        %mul3A_495 = arith.constant 16 : i32
        %mul3A_496 = arith.muli %mul3A_495, %scan3A_273 : i32
        %swap3A_497 = arith.constant 24 : i32
        %swap3A_498 = arith.index_cast %swap3A_497 : i32 to index
        %swap3A_499 = arith.index_cast %mul3A_496 : i32 to index
        %swap3A_500 = tpu.vector_load %arg9[%swap3A_498, %swap3A_499] {strides = array<i32>} : memref<32x512xf32, #tpu.memory_space<vmem>>, vector<16xf32>,
        tpu.vector_store %arg9[%swap3A_498, %swap3A_499], %gather3A_494 {strides = array<i32>} : memref<32x512xf32, #tpu.memory_space<vmem>>, vector<16xf32>,
        %broadcast_in_dim3A_501 = arith.constant 25 : i32
        %broadcast_in_dim3A_502 = vector.broadcast %broadcast_in_dim3A_501 : i32 to vector<16xi32>
        %gather3A_503 = tpu.vector_load_idx %arg7[%add3A_278, %broadcast_in_dim3A_502] : memref<512x32xf32, #tpu.memory_space<vmem>>[vector<16xi32>, vector<16xi32>], vector<16xf32>,
        %mul3A_504 = arith.constant 16 : i32
        %mul3A_505 = arith.muli %mul3A_504, %scan3A_273 : i32
        %swap3A_506 = arith.constant 25 : i32
        %swap3A_507 = arith.index_cast %swap3A_506 : i32 to index
        %swap3A_508 = arith.index_cast %mul3A_505 : i32 to index
        %swap3A_509 = tpu.vector_load %arg9[%swap3A_507, %swap3A_508] {strides = array<i32>} : memref<32x512xf32, #tpu.memory_space<vmem>>, vector<16xf32>,
        tpu.vector_store %arg9[%swap3A_507, %swap3A_508], %gather3A_503 {strides = array<i32>} : memref<32x512xf32, #tpu.memory_space<vmem>>, vector<16xf32>,
        %broadcast_in_dim3A_510 = arith.constant 26 : i32
        %broadcast_in_dim3A_511 = vector.broadcast %broadcast_in_dim3A_510 : i32 to vector<16xi32>
        %gather3A_512 = tpu.vector_load_idx %arg7[%add3A_278, %broadcast_in_dim3A_511] : memref<512x32xf32, #tpu.memory_space<vmem>>[vector<16xi32>, vector<16xi32>], vector<16xf32>,
        %mul3A_513 = arith.constant 16 : i32
        %mul3A_514 = arith.muli %mul3A_513, %scan3A_273 : i32
        %swap3A_515 = arith.constant 26 : i32
        %swap3A_516 = arith.index_cast %swap3A_515 : i32 to index
        %swap3A_517 = arith.index_cast %mul3A_514 : i32 to index
        %swap3A_518 = tpu.vector_load %arg9[%swap3A_516, %swap3A_517] {strides = array<i32>} : memref<32x512xf32, #tpu.memory_space<vmem>>, vector<16xf32>,
        tpu.vector_store %arg9[%swap3A_516, %swap3A_517], %gather3A_512 {strides = array<i32>} : memref<32x512xf32, #tpu.memory_space<vmem>>, vector<16xf32>,
        %broadcast_in_dim3A_519 = arith.constant 27 : i32
        %broadcast_in_dim3A_520 = vector.broadcast %broadcast_in_dim3A_519 : i32 to vector<16xi32>
        %gather3A_521 = tpu.vector_load_idx %arg7[%add3A_278, %broadcast_in_dim3A_520] : memref<512x32xf32, #tpu.memory_space<vmem>>[vector<16xi32>, vector<16xi32>], vector<16xf32>,
        %mul3A_522 = arith.constant 16 : i32
        %mul3A_523 = arith.muli %mul3A_522, %scan3A_273 : i32
        %swap3A_524 = arith.constant 27 : i32
        %swap3A_525 = arith.index_cast %swap3A_524 : i32 to index
        %swap3A_526 = arith.index_cast %mul3A_523 : i32 to index
        %swap3A_527 = tpu.vector_load %arg9[%swap3A_525, %swap3A_526] {strides = array<i32>} : memref<32x512xf32, #tpu.memory_space<vmem>>, vector<16xf32>,
        tpu.vector_store %arg9[%swap3A_525, %swap3A_526], %gather3A_521 {strides = array<i32>} : memref<32x512xf32, #tpu.memory_space<vmem>>, vector<16xf32>,
        %broadcast_in_dim3A_528 = arith.constant 28 : i32
        %broadcast_in_dim3A_529 = vector.broadcast %broadcast_in_dim3A_528 : i32 to vector<16xi32>
        %gather3A_530 = tpu.vector_load_idx %arg7[%add3A_278, %broadcast_in_dim3A_529] : memref<512x32xf32, #tpu.memory_space<vmem>>[vector<16xi32>, vector<16xi32>], vector<16xf32>,
        %mul3A_531 = arith.constant 16 : i32
        %mul3A_532 = arith.muli %mul3A_531, %scan3A_273 : i32
        %swap3A_533 = arith.constant 28 : i32
        %swap3A_534 = arith.index_cast %swap3A_533 : i32 to index
        %swap3A_535 = arith.index_cast %mul3A_532 : i32 to index
        %swap3A_536 = tpu.vector_load %arg9[%swap3A_534, %swap3A_535] {strides = array<i32>} : memref<32x512xf32, #tpu.memory_space<vmem>>, vector<16xf32>,
        tpu.vector_store %arg9[%swap3A_534, %swap3A_535], %gather3A_530 {strides = array<i32>} : memref<32x512xf32, #tpu.memory_space<vmem>>, vector<16xf32>,
        %broadcast_in_dim3A_537 = arith.constant 29 : i32
        %broadcast_in_dim3A_538 = vector.broadcast %broadcast_in_dim3A_537 : i32 to vector<16xi32>
        %gather3A_539 = tpu.vector_load_idx %arg7[%add3A_278, %broadcast_in_dim3A_538] : memref<512x32xf32, #tpu.memory_space<vmem>>[vector<16xi32>, vector<16xi32>], vector<16xf32>,
        %mul3A_540 = arith.constant 16 : i32
        %mul3A_541 = arith.muli %mul3A_540, %scan3A_273 : i32
        %swap3A_542 = arith.constant 29 : i32
        %swap3A_543 = arith.index_cast %swap3A_542 : i32 to index
        %swap3A_544 = arith.index_cast %mul3A_541 : i32 to index
        %swap3A_545 = tpu.vector_load %arg9[%swap3A_543, %swap3A_544] {strides = array<i32>} : memref<32x512xf32, #tpu.memory_space<vmem>>, vector<16xf32>,
        tpu.vector_store %arg9[%swap3A_543, %swap3A_544], %gather3A_539 {strides = array<i32>} : memref<32x512xf32, #tpu.memory_space<vmem>>, vector<16xf32>,
        %broadcast_in_dim3A_546 = arith.constant 30 : i32
        %broadcast_in_dim3A_547 = vector.broadcast %broadcast_in_dim3A_546 : i32 to vector<16xi32>
        %gather3A_548 = tpu.vector_load_idx %arg7[%add3A_278, %broadcast_in_dim3A_547] : memref<512x32xf32, #tpu.memory_space<vmem>>[vector<16xi32>, vector<16xi32>], vector<16xf32>,
        %mul3A_549 = arith.constant 16 : i32
        %mul3A_550 = arith.muli %mul3A_549, %scan3A_273 : i32
        %swap3A_551 = arith.constant 30 : i32
        %swap3A_552 = arith.index_cast %swap3A_551 : i32 to index
        %swap3A_553 = arith.index_cast %mul3A_550 : i32 to index
        %swap3A_554 = tpu.vector_load %arg9[%swap3A_552, %swap3A_553] {strides = array<i32>} : memref<32x512xf32, #tpu.memory_space<vmem>>, vector<16xf32>,
        tpu.vector_store %arg9[%swap3A_552, %swap3A_553], %gather3A_548 {strides = array<i32>} : memref<32x512xf32, #tpu.memory_space<vmem>>, vector<16xf32>,
        %broadcast_in_dim3A_555 = arith.constant 31 : i32
        %broadcast_in_dim3A_556 = vector.broadcast %broadcast_in_dim3A_555 : i32 to vector<16xi32>
        %gather3A_557 = tpu.vector_load_idx %arg7[%add3A_278, %broadcast_in_dim3A_556] : memref<512x32xf32, #tpu.memory_space<vmem>>[vector<16xi32>, vector<16xi32>], vector<16xf32>,
        %mul3A_558 = arith.constant 16 : i32
        %mul3A_559 = arith.muli %mul3A_558, %scan3A_273 : i32
        %swap3A_560 = arith.constant 31 : i32
        %swap3A_561 = arith.index_cast %swap3A_560 : i32 to index
        %swap3A_562 = arith.index_cast %mul3A_559 : i32 to index
        %swap3A_563 = tpu.vector_load %arg9[%swap3A_561, %swap3A_562] {strides = array<i32>} : memref<32x512xf32, #tpu.memory_space<vmem>>, vector<16xf32>,
        tpu.vector_store %arg9[%swap3A_561, %swap3A_562], %gather3A_557 {strides = array<i32>} : memref<32x512xf32, #tpu.memory_space<vmem>>, vector<16xf32>,
        %scan3A_564 = arith.constant 0 : i32
        scf.yield %scan3A_564 : i32
      }
      %scan3A_212 = arith.constant 32 : i32
      %mul3A_213 = arith.constant 50 : i32
      %mul3A_214 = arith.muli %add3A, %mul3A_213 : i32
      %add3A_215 = arith.addi %mul3A_214, %add3A_120 : i32
      %jit3A_216 = arith.constant 32 : i32
      %div3A_217 = arith.divsi %add3A_215, %jit3A_216 : i32
      %sign3A_218 = arith.constant 0 : i32
      %sign3A_219 = arith.cmpi sgt, %add3A_215, %sign3A_218 : i32
      %sign3A_220 = arith.extui %sign3A_219 : i1 to i32
      %sign3A_221 = arith.constant 0 : i32
      %sign3A_222 = arith.cmpi slt, %add3A_215, %sign3A_221 : i32
      %sign3A_223 = arith.extui %sign3A_222 : i1 to i32
      %sign3A_224 = arith.subi %sign3A_220, %sign3A_223 : i32
      %sign3A_225 = arith.constant 0 : i32
      %sign3A_226 = arith.cmpi sgt, %jit3A_216, %sign3A_225 : i32
      %sign3A_227 = arith.extui %sign3A_226 : i1 to i32
      %sign3A_228 = arith.constant 0 : i32
      %sign3A_229 = arith.cmpi slt, %jit3A_216, %sign3A_228 : i32
      %sign3A_230 = arith.extui %sign3A_229 : i1 to i32
      %sign3A_231 = arith.subi %sign3A_227, %sign3A_230 : i32
      %ne3A_232 = arith.cmpi ne, %sign3A_224, %sign3A_231 : i32
      %rem3A_233 = arith.remsi %add3A_215, %jit3A_216 : i32
      %ne3A_234 = arith.constant 0 : i32
      %ne3A_235 = arith.cmpi ne, %rem3A_233, %ne3A_234 : i32
      %and3A_236 = arith.andi %ne3A_232, %ne3A_235 : i1
      %sub3A_237 = arith.constant 1 : i32
      %sub3A_238 = arith.subi %div3A_217, %sub3A_237 : i32
      %select_n3A_239 = arith.select %and3A_236, %sub3A_238, %div3A_217 : i32
      %jit3A_240 = arith.constant 32 : i32
      %eq3A_241 = arith.constant 0 : i32
      %eq3A_242 = arith.cmpi eq, %jit3A_240, %eq3A_241 : i32
      %jit3A_243 = arith.constant 1 : i32
      %select_n3A_244 = arith.select %eq3A_242, %jit3A_243, %jit3A_240 : i32
      %rem3A_245 = arith.remsi %add3A_215, %select_n3A_244 : i32
      %ne3A_246 = arith.constant 0 : i32
      %ne3A_247 = arith.cmpi ne, %rem3A_245, %ne3A_246 : i32
      %lt3A_248 = arith.constant 0 : i32
      %lt3A_249 = arith.cmpi slt, %rem3A_245, %lt3A_248 : i32
      %lt3A_250 = arith.constant 0 : i32
      %lt3A_251 = arith.cmpi slt, %select_n3A_244, %lt3A_250 : i32
      %ne3A_252 = arith.xori %lt3A_249, %lt3A_251 : i1
      %and3A_253 = arith.andi %ne3A_252, %ne3A_247 : i1
      %add3A_254 = arith.addi %rem3A_245, %select_n3A_244 : i32
      %select_n3A_255 = arith.select %and3A_253, %add3A_254, %rem3A_245 : i32
      %mul3A_256 = arith.constant 512 : i32
      %mul3A_257 = arith.muli %select_n3A_255, %mul3A_256 : i32
      %multiple_of3A_258 = tpu.assume_multiple %mul3A_257, 128 : i32
      %dma_start3A_259 = arith.constant 0 : i32
      %dma_start3A_260 = tpu.memref_slice %arg4[%select_n3A_239, %dma_start3A_259, %multiple_of3A_258] : memref<50x32x16384xf32, #tpu.memory_space<hbm>> -> memref<1x32x512xf32, #tpu.memory_space<hbm>>
      %dma_start3A_261 = tpu.memref_squeeze %dma_start3A_260 : memref<1x32x512xf32, #tpu.memory_space<hbm>> -> memref<32x512xf32, #tpu.memory_space<hbm>>
      %dma_start3A_262 = arith.constant 0 : i32
      %dma_start3A_263 = tpu.memref_slice %arg4[%select_n3A_239, %dma_start3A_262, %multiple_of3A_258] : memref<50x32x16384xf32, #tpu.memory_space<hbm>> -> memref<1x32x512xf32, #tpu.memory_space<hbm>>
      %dma_start3A_264 = tpu.memref_squeeze %dma_start3A_263 : memref<1x32x512xf32, #tpu.memory_space<hbm>> -> memref<32x512xf32, #tpu.memory_space<hbm>>
      tpu.enqueue_dma source(%arg9 : memref<32x512xf32, #tpu.memory_space<vmem>>) target(%dma_start3A_264 : memref<32x512xf32, #tpu.memory_space<hbm>>) target_semaphore(%arg13 : memref<!tpu.dma_semaphore, #tpu.memory_space<semaphore_mem>>)
      %add3A_265 = arith.constant 1 : i32
      %add3A_266 = arith.addi %scan3A_115, %add3A_265 : i32
      %lt3A_267 = arith.constant 25 : i32
      %lt3A_268 = arith.cmpi slt, %add3A_266, %lt3A_267 : i32
      %convert_element_type3A_269 = arith.extui %lt3A_268 : i1 to i32
      %cond3A_270 = arith.constant 0 : i32
      %cond3A_271 = arith.cmpi ne, %convert_element_type3A_269, %cond3A_270 : i32
      scf.if %cond3A_271 {
        %add3A_273 = arith.constant 2 : i32
        %add3A_274 = arith.addi %add3A_120, %add3A_273 : i32
        %mul3A_275 = arith.constant 512 : i32
        %mul3A_276 = arith.muli %add3A_274, %mul3A_275 : i32
        %dma_start3A_277 = tpu.memref_slice %arg5[%mul3A_276] : memref<25600xi32, #tpu.memory_space<vmem>> -> memref<512xi32, #tpu.memory_space<vmem>>
        %dma_start3A_278 = arith.constant 0 : i32
        %dma_start3A_279 = arith.constant 0 : i32
        %dma_start3A_280 = tpu.memref_slice %arg3[%dma_start3A_278, %dma_start3A_279] : memref<1000000x32xf32, #tpu.memory_space<hbm>> -> memref<1000000x32xf32, #tpu.memory_space<hbm>>
        tpu.enqueue_indirect_dma source(%dma_start3A_280 : memref<1000000x32xf32, #tpu.memory_space<hbm>>) target(%arg7 : memref<512x32xf32, #tpu.memory_space<vmem>>) offsets(%dma_start3A_277 : memref<512xi32, #tpu.memory_space<vmem>>) semaphore(%arg11 : memref<!tpu.dma_semaphore, #tpu.memory_space<semaphore_mem>>)
      } else {
      }
      %scan3A_272 = arith.constant 0 : i32
      scf.yield %scan3A_272 : i32
    }
    %scan3A_19 = arith.constant 25 : i32
    %mul3A_20 = arith.constant 50 : i32
    %mul3A_21 = arith.muli %add3A, %mul3A_20 : i32
    %add3A_22 = arith.constant 48 : i32
    %add3A_23 = arith.addi %mul3A_21, %add3A_22 : i32
    %jit3A = arith.constant 32 : i32
    %div3A = arith.divsi %add3A_23, %jit3A : i32
    %sign3A = arith.constant 0 : i32
    %sign3A_24 = arith.cmpi sgt, %add3A_23, %sign3A : i32
    %sign3A_25 = arith.extui %sign3A_24 : i1 to i32
    %sign3A_26 = arith.constant 0 : i32
    %sign3A_27 = arith.cmpi slt, %add3A_23, %sign3A_26 : i32
    %sign3A_28 = arith.extui %sign3A_27 : i1 to i32
    %sign3A_29 = arith.subi %sign3A_25, %sign3A_28 : i32
    %sign3A_30 = arith.constant 0 : i32
    %sign3A_31 = arith.cmpi sgt, %jit3A, %sign3A_30 : i32
    %sign3A_32 = arith.extui %sign3A_31 : i1 to i32
    %sign3A_33 = arith.constant 0 : i32
    %sign3A_34 = arith.cmpi slt, %jit3A, %sign3A_33 : i32
    %sign3A_35 = arith.extui %sign3A_34 : i1 to i32
    %sign3A_36 = arith.subi %sign3A_32, %sign3A_35 : i32
    %ne3A = arith.cmpi ne, %sign3A_29, %sign3A_36 : i32
    %rem3A = arith.remsi %add3A_23, %jit3A : i32
    %ne3A_37 = arith.constant 0 : i32
    %ne3A_38 = arith.cmpi ne, %rem3A, %ne3A_37 : i32
    %and3A = arith.andi %ne3A, %ne3A_38 : i1
    %sub3A = arith.constant 1 : i32
    %sub3A_39 = arith.subi %div3A, %sub3A : i32
    %select_n3A = arith.select %and3A, %sub3A_39, %div3A : i32
    %jit3A_40 = arith.constant 32 : i32
    %eq3A = arith.constant 0 : i32
    %eq3A_41 = arith.cmpi eq, %jit3A_40, %eq3A : i32
    %jit3A_42 = arith.constant 1 : i32
    %select_n3A_43 = arith.select %eq3A_41, %jit3A_42, %jit3A_40 : i32
    %rem3A_44 = arith.remsi %add3A_23, %select_n3A_43 : i32
    %ne3A_45 = arith.constant 0 : i32
    %ne3A_46 = arith.cmpi ne, %rem3A_44, %ne3A_45 : i32
    %lt3A = arith.constant 0 : i32
    %lt3A_47 = arith.cmpi slt, %rem3A_44, %lt3A : i32
    %lt3A_48 = arith.constant 0 : i32
    %lt3A_49 = arith.cmpi slt, %select_n3A_43, %lt3A_48 : i32
    %ne3A_50 = arith.xori %lt3A_47, %lt3A_49 : i1
    %and3A_51 = arith.andi %ne3A_50, %ne3A_46 : i1
    %add3A_52 = arith.addi %rem3A_44, %select_n3A_43 : i32
    %select_n3A_53 = arith.select %and3A_51, %add3A_52, %rem3A_44 : i32
    %mul3A_54 = arith.constant 512 : i32
    %mul3A_55 = arith.muli %select_n3A_53, %mul3A_54 : i32
    %multiple_of3A_56 = tpu.assume_multiple %mul3A_55, 128 : i32
    %dma_wait3A = arith.constant 0 : i32
    %dma_wait3A_57 = tpu.memref_slice %arg4[%select_n3A, %dma_wait3A, %multiple_of3A_56] : memref<50x32x16384xf32, #tpu.memory_space<hbm>> -> memref<1x32x512xf32, #tpu.memory_space<hbm>>
    %dma_wait3A_58 = tpu.memref_squeeze %dma_wait3A_57 : memref<1x32x512xf32, #tpu.memory_space<hbm>> -> memref<32x512xf32, #tpu.memory_space<hbm>>
    %dma_wait3A_59 = arith.constant 0 : i32
    %dma_wait3A_60 = tpu.memref_slice %arg4[%select_n3A, %dma_wait3A_59, %multiple_of3A_56] : memref<50x32x16384xf32, #tpu.memory_space<hbm>> -> memref<1x32x512xf32, #tpu.memory_space<hbm>>
    %dma_wait3A_61 = tpu.memref_squeeze %dma_wait3A_60 : memref<1x32x512xf32, #tpu.memory_space<hbm>> -> memref<32x512xf32, #tpu.memory_space<hbm>>
    tpu.wait_dma2 semaphore(%arg12 : memref<!tpu.dma_semaphore, #tpu.memory_space<semaphore_mem>>) src(%arg8 : memref<32x512xf32, #tpu.memory_space<vmem>>) dst(%dma_wait3A_61 : memref<32x512xf32, #tpu.memory_space<hbm>>)
    %mul3A_62 = arith.constant 50 : i32
    %mul3A_63 = arith.muli %add3A, %mul3A_62 : i32
    %add3A_64 = arith.constant 49 : i32
    %add3A_65 = arith.addi %mul3A_63, %add3A_64 : i32
    %jit3A_66 = arith.constant 32 : i32
    %div3A_67 = arith.divsi %add3A_65, %jit3A_66 : i32
    %sign3A_68 = arith.constant 0 : i32
    %sign3A_69 = arith.cmpi sgt, %add3A_65, %sign3A_68 : i32
    %sign3A_70 = arith.extui %sign3A_69 : i1 to i32
    %sign3A_71 = arith.constant 0 : i32
    %sign3A_72 = arith.cmpi slt, %add3A_65, %sign3A_71 : i32
    %sign3A_73 = arith.extui %sign3A_72 : i1 to i32
    %sign3A_74 = arith.subi %sign3A_70, %sign3A_73 : i32
    %sign3A_75 = arith.constant 0 : i32
    %sign3A_76 = arith.cmpi sgt, %jit3A_66, %sign3A_75 : i32
    %sign3A_77 = arith.extui %sign3A_76 : i1 to i32
    %sign3A_78 = arith.constant 0 : i32
    %sign3A_79 = arith.cmpi slt, %jit3A_66, %sign3A_78 : i32
    %sign3A_80 = arith.extui %sign3A_79 : i1 to i32
    %sign3A_81 = arith.subi %sign3A_77, %sign3A_80 : i32
    %ne3A_82 = arith.cmpi ne, %sign3A_74, %sign3A_81 : i32
    %rem3A_83 = arith.remsi %add3A_65, %jit3A_66 : i32
    %ne3A_84 = arith.constant 0 : i32
    %ne3A_85 = arith.cmpi ne, %rem3A_83, %ne3A_84 : i32
    %and3A_86 = arith.andi %ne3A_82, %ne3A_85 : i1
    %sub3A_87 = arith.constant 1 : i32
    %sub3A_88 = arith.subi %div3A_67, %sub3A_87 : i32
    %select_n3A_89 = arith.select %and3A_86, %sub3A_88, %div3A_67 : i32
    %jit3A_90 = arith.constant 32 : i32
    %eq3A_91 = arith.constant 0 : i32
    %eq3A_92 = arith.cmpi eq, %jit3A_90, %eq3A_91 : i32
    %jit3A_93 = arith.constant 1 : i32
    %select_n3A_94 = arith.select %eq3A_92, %jit3A_93, %jit3A_90 : i32
    %rem3A_95 = arith.remsi %add3A_65, %select_n3A_94 : i32
    %ne3A_96 = arith.constant 0 : i32
    %ne3A_97 = arith.cmpi ne, %rem3A_95, %ne3A_96 : i32
    %lt3A_98 = arith.constant 0 : i32
    %lt3A_99 = arith.cmpi slt, %rem3A_95, %lt3A_98 : i32
    %lt3A_100 = arith.constant 0 : i32
    %lt3A_101 = arith.cmpi slt, %select_n3A_94, %lt3A_100 : i32
    %ne3A_102 = arith.xori %lt3A_99, %lt3A_101 : i1
    %and3A_103 = arith.andi %ne3A_102, %ne3A_97 : i1
    %add3A_104 = arith.addi %rem3A_95, %select_n3A_94 : i32
    %select_n3A_105 = arith.select %and3A_103, %add3A_104, %rem3A_95 : i32
    %mul3A_106 = arith.constant 512 : i32
    %mul3A_107 = arith.muli %select_n3A_105, %mul3A_106 : i32
    %multiple_of3A_108 = tpu.assume_multiple %mul3A_107, 128 : i32
    %dma_wait3A_109 = arith.constant 0 : i32
    %dma_wait3A_110 = tpu.memref_slice %arg4[%select_n3A_89, %dma_wait3A_109, %multiple_of3A_108] : memref<50x32x16384xf32, #tpu.memory_space<hbm>> -> memref<1x32x512xf32, #tpu.memory_space<hbm>>
    %dma_wait3A_111 = tpu.memref_squeeze %dma_wait3A_110 : memref<1x32x512xf32, #tpu.memory_space<hbm>> -> memref<32x512xf32, #tpu.memory_space<hbm>>
    %dma_wait3A_112 = arith.constant 0 : i32
    %dma_wait3A_113 = tpu.memref_slice %arg4[%select_n3A_89, %dma_wait3A_112, %multiple_of3A_108] : memref<50x32x16384xf32, #tpu.memory_space<hbm>> -> memref<1x32x512xf32, #tpu.memory_space<hbm>>
    %dma_wait3A_114 = tpu.memref_squeeze %dma_wait3A_113 : memref<1x32x512xf32, #tpu.memory_space<hbm>> -> memref<32x512xf32, #tpu.memory_space<hbm>>
    tpu.wait_dma2 semaphore(%arg13 : memref<!tpu.dma_semaphore, #tpu.memory_space<semaphore_mem>>) src(%arg9 : memref<32x512xf32, #tpu.memory_space<vmem>>) dst(%dma_wait3A_114 : memref<32x512xf32, #tpu.memory_space<hbm>>)
    return
  }
}

</mosaic_0001>

<sc_bundles>
// kernel: kernel.3.cloned.1.call-start
scs
__scs_entry_jumppad:
0x0: {  	(pc) =	sbr.rel $0x88, $3  }
0x1: {  	(tag) =	ssettag $0x0;
	lr =	simm.s32 $0x1  }
0x2: {  	[smem:$0x3F9F] =	sst lr;
	_ =	strace $0xD0000000  }
0x3: {  	_ = 	snop  }
0x4: {  	_ = 	snop  }
0x5: {  	_ = 	snop  }
0x6: {  	_ = 	snop  }
0x7: {  	_ = 	snop  }
__scs_overlays_trampoline_lowered:
0x8: {  	[smem:$0x3FAE] =	sst s0  }
0x9: {  	[smem:$0x3FAF] =	sst s1  }
0xa: {  	[smem:$0x3FB0] =	sst s2  }
0xb: {  	[smem:$0x3FB1] =	sst s3  }
0xc: {  	[smem:$0x3FB2] =	sst s4  }
0xd: {  	[smem:$0x3FB3] =	sst s5  }
0xe: {  	[smem:$0x3FB4] =	sst s6  }
0xf: {  	[smem:$0x3FB5] =	sst s7  }
0x10: {  	[smem:$0x3FB6] =	sst s8  }
0x11: {  	[smem:$0x3FB7] =	sst s9;
	s0 =	simm.s32 @!p0 $0x0  }
0x12: {  	s1 =	sld [smem:$0x3F9D];
	s0 =	simm.s32 @p0 $0x1  }
0x13: {  	[smem:$0x3FB8] =	sst s0;
	s0 =	simm.s32 @!p1 $0x0  }
0x14: {  	s2 =	sld [smem:$0x3F9C];
	s0 =	simm.s32 @p1 $0x1  }
0x15: {  	[smem:$0x3FB9] =	sst s0;
	s0 =	simm.s32 @!p2 $0x0  }
0x16: {  	s3 =	sld [smem:$0x3FDB];
	s0 =	simm.s32 @p2 $0x1  }
0x17: {  	s4 =	simm.s32 $0x1BF5;
	[smem:$0x3FBB] =	sst s0  }
0x18: {  	s0 =	sld [smem:$0x3F9E];
	_ =	swait.ge [sflag:s4], $0x0  }
0x19: {  	s7 =	sld [smem:$0x3F9F]  }
0x1a: {  	s8 =	sadd.s32 $0xFFFFE003, lr  }
0x1b: {  	s9 =	sadd.s32 $0xFFFFFEF7, lr;
	s5 =	simm.s32 $0xFFFFFFFF;
	p2 =	slt.u32 s8, $0xFFFFF086  }
0x1c: {  	p1 =	slt.u32 s9, $0xF7A;
	s5 =	simm.s32 @!p2 $0x0  }
0x1d: {  	s5 =	simm.s32 @p1 $0x1;
	p0 =	seq.s32 s7, s2  }
0x1e: {  	s7 =	smul.u32 @!p0 $0xF7A, s2;
	p2 =	seq.s32 @!p0 s5, $0x0  }
0x1f: {  	s9 =	smul.u32 $0xF7A, s1;
	s8 =	simm.s32 @!p0 $0x1BF5;
	p2 =	por !p2, p0  }
0x20: {  	[sflag:s8] =	ssyncset.s32 @!p0 $0xFFFFF086;
	s6 =	sadd.s32 @!p0 s3, s7;
	s7 =	simm.s32 @!p0 $0x108  }
0x21: {  	s3 =	sadd.s32 s3, s9;
	s6 =	sadd.s32 @!p0 $0x88, s6;
	s7 =	simm.s32 @p2 $0x1082  }
0x22: {  	[simem:s7], [sflag:s8] =	dma.local @!p0 [hbm:s6], $0xF7A  }
0x23: {  	s9 =	sor.u32 $0xD0000000, s2;
	s6 =	simm.s32 $0x108;
	_ =	swait.ge @!p0 [sflag:s8], $0x0  }
0x24: {  	s3 =	sadd.s32 $0x88, s3;
	s6 =	simm.s32 @!p1 $0x1082;
	[sflag:s4] =	ssyncset.s32 $0xFFFFF086  }
0x25: {  	[simem:s6], [sflag:s4] =	dma.local [hbm:s3], $0xF7A  }
0x26: {  	[smem:$0x3F9F] =	sst s1;
	(tag) =	ssettag s2;
	_ =	strace s9  }
0x27: {  	s1 =	sld [smem:$0x3FAF]  }
0x28: {  	s2 =	sld [smem:$0x3FB0]  }
0x29: {  	s4 =	sld [smem:$0x3FB2]  }
0x2a: {  	p0 =	seq.s32 s5, $0x0;
	s5 =	sld [smem:$0x3FB3]  }
0x2b: {  	s6 =	sld [smem:$0x3FB4]  }
0x2c: {  	s7 =	sld [smem:$0x3FB5]  }
0x2d: {  	s3 =	simm.s32 $0x108;
	s8 =	sld [smem:$0x3FB6]  }
0x2e: {  	s3 =	simm.s32 @!p0 $0x1082;
	s9 =	sld [smem:$0x3FB7]  }
0x2f: {  	lr =	sadd.s32 s0, s3;
	s0 =	sld [smem:$0x3FAE]  }
0x30: {  	s3 =	sld [smem:$0x3FB1]  }
0x31: {  	[smem:$0x3FBA] =	sst s10  }
0x32: {  	s10 =	sld [smem:$0x3FB8];
	_ =	sdelay $0x3  }
0x33: {  	p0 =	seq.s32 s10, $0x1;
	s10 =	sld [smem:$0x3FBA];
	_ =	sdelay $0x3  }
0x34: {  	[smem:$0x3FBA] =	sst s10  }
0x35: {  	s10 =	sld [smem:$0x3FB9];
	_ =	sdelay $0x3  }
0x36: {  	p1 =	seq.s32 s10, $0x1;
	s10 =	sld [smem:$0x3FBA];
	_ =	sdelay $0x3  }
0x37: {  	[smem:$0x3FBA] =	sst s10  }
0x38: {  	s10 =	sld [smem:$0x3FBB]  }
0x39: {  	_ = 	snop;
	(pc) =	sbr.ind lr, $3  }
0x3a: {  	_ = 	snop  }
0x3b: {  	_ = 	snop  }
0x3c: {  	p2 =	seq.s32 s10, $0x1;
	s10 =	sld [smem:$0x3FBA]  }
0x3d: {  	_ =	shalt  }
0x3e: {  	_ =	shalt  }
0x3f: {  	_ =	shalt  }
0x40: {  	_ =	shalt  }
0x41: {  	_ =	shalt  }
0x42: {  	_ =	shalt  }
0x43: {  	_ =	shalt  }
0x44: {  	_ =	shalt  }
0x45: {  	_ =	shalt  }
0x46: {  	_ =	shalt  }
0x47: {  	_ =	shalt  }
0x48: {  	_ =	shalt  }
0x49: {  	_ =	shalt  }
0x4a: {  	_ =	shalt  }
0x4b: {  	_ =	shalt  }
0x4c: {  	_ =	shalt  }
0x4d: {  	_ =	shalt  }
0x4e: {  	_ =	shalt  }
0x4f: {  	_ =	shalt  }
0x50: {  	_ =	shalt  }
0x51: {  	_ =	shalt  }
0x52: {  	_ =	shalt  }
0x53: {  	_ =	shalt  }
0x54: {  	_ =	shalt  }
0x55: {  	_ =	shalt  }
0x56: {  	_ =	shalt  }
0x57: {  	_ =	shalt  }
0x58: {  	_ =	shalt  }
0x59: {  	_ =	shalt  }
0x5a: {  	_ =	shalt  }
0x5b: {  	_ =	shalt  }
0x5c: {  	_ =	shalt  }
0x5d: {  	_ =	shalt  }
0x5e: {  	_ =	shalt  }
0x5f: {  	_ =	shalt  }
0x60: {  	_ =	shalt  }
0x61: {  	_ =	shalt  }
0x62: {  	_ =	shalt  }
0x63: {  	_ =	shalt  }
0x64: {  	_ =	shalt  }
0x65: {  	_ =	shalt  }
0x66: {  	_ =	shalt  }
0x67: {  	_ =	shalt  }
0x68: {  	_ =	shalt  }
0x69: {  	_ =	shalt  }
0x6a: {  	_ =	shalt  }
0x6b: {  	_ =	shalt  }
0x6c: {  	_ =	shalt  }
0x6d: {  	_ =	shalt  }
0x6e: {  	_ =	shalt  }
0x6f: {  	_ =	shalt  }
0x70: {  	_ =	shalt  }
0x71: {  	_ =	shalt  }
0x72: {  	_ =	shalt  }
0x73: {  	_ =	shalt  }
0x74: {  	_ =	shalt  }
0x75: {  	_ =	shalt  }
0x76: {  	_ =	shalt  }
0x77: {  	_ =	shalt  }
0x78: {  	_ =	shalt  }
0x79: {  	_ =	shalt  }
0x7a: {  	_ =	shalt  }
0x7b: {  	_ =	shalt  }
0x7c: {  	_ =	shalt  }
0x7d: {  	_ =	shalt  }
0x7e: {  	_ =	shalt  }
0x7f: {  	_ =	shalt  }
0x80: {  	_ =	shalt  }
0x81: {  	_ =	shalt  }
0x82: {  	_ =	shalt  }
0x83: {  	_ =	shalt  }
0x84: {  	_ =	shalt  }
0x85: {  	_ =	shalt  }
0x86: {  	_ =	shalt  }
0x87: {  	_ =	shalt  }
.Lfunc_end0:
.L_simem_size_0:
called_computation_lowered:
.L_overlay_start_0:
0x88: {  	s2 =	sld [smem:$0x3FD9]  }
0x89: {  	s3 =	sld [smem:$0x3FFE];
	_ =	sdelay $0x1  }
0x8a: {  	s1 =	srdreg.scid  }
0x8b: {  	s0 =	sand.u32 $0x1, s1  }
0x8c: {  	s17 =	sshll.u32 s0, $0xA;
	s2 =	sadd.s32 s3, s2  }
0x8d: {  	s2 =	sadd.s32 s2, s17  }
0x8e: {  	[smem:$0x3FC6] =	sst s2  }
0x8f: {  	_ = 	snop  }
0x90: {  	s2 =	sld [smem:$0x3FD0];
	(tm) =	ssettm $0x1  }
0x91: {  	s18 =	sld [smem:$0x3FFB];
	_ =	sdelay $0x3  }
0x92: {  	_ =	strace s18  }
0x93: {  	s3 =	sld [smem:$0x3FFC];
	_ =	sdelay $0x3  }
0x94: {  	_ =	strace s3  }
0x95: {  	s3 =	sld [smem:$0x3FFD];
	_ =	sdelay $0x3  }
0x96: {  	_ =	strace s3  }
0x97: {  	_ =	strace $0x8FFFFFFF  }
0x98: {  	s19 =	sld [smem:$0x3FDB];
	_ =	sdelay $0x1  }
0x99: {  	s4 =	simm.s32 $_scs_section_size  }
0x9a: {  	s5 =	simm.s32 $_size__tile_overlayer_lowered;
	s6 =	simm.s32 $_tile_overlayer_lowered  }
0x9b: {  	s22 =	simm.s32 $0x1BFF;
	s21 =	sshll.u32 s6, $0x1;
	s3 =	sadd.s32 s4, s19  }
0x9c: {  	s7 =	simm.s32 $0x0;
	s20 =	sshll.u32 s5, $0x1;
	s5 =	sadd.s32 s21, s3  }
0x9d: {  	[timem:s7], [sflag:s22] =	dma.local [hbm:s5], s20  }
0x9e: {  	_ =	swait.ge [sflag:s22], s20  }
0x9f: {  	s4 =	ssub.s32 $0x0, s20;
	[sflag:s22] =	ssyncset.done $0x0  }
0xa0: {  	[sflag:s22] =	ssyncadd.s32 s4;
	_ =	sdelay $0x1  }
0xa1: {  	s23 =	simm.s32 $0x1B8B  }
0xa2: {  	_ =	swait.ge [sflag:s23], $0x1  }
0xa3: {  	[sflag:s23] =	ssyncset.done $0x0  }
0xa4: {  	s25 =	simm.s32 $0x1B8E;
	s24 =	sld [smem:$0x3FFE];
	[sflag:s23] =	ssyncadd.s32 $0xFFFFFFFF  }
0xa5: {  	s26 =	simm.s32 $execute0_lowered;
	[smem:$0x3FD2] =	sst s25  }
0xa6: {  	s5 =	sshll.u32 s26, $0x1;
	_ =	strace $0x80000046;
	[dreg:$0x1] =	wrdreg $0xFFFFFFFF  }
0xa7: {  	s28 =	simm.s32 $_size_execute0_lowered;
	s3 =	sadd.s32 s3, s5;
	[dreg:$0x0] =	wrdreg $0x0  }
0xa8: {  	s5 =	sshll.u32 s28, $0x1;
	[dreg:$0x2] =	wrdreg s3  }
0xa9: {  	[dreg:$0x3] =	wrdreg s5  }
0xaa: {  	[dreg:$0x4] =	wrdreg $0xC0  }
0xab: {  	_ =	task [dreg:s7], $0x5FFFF  }
0xac: {  	[dreg:$0x1] =	wrdreg $0xFFFFFFFF  }
0xad: {  	[dreg:$0x0] =	wrdreg $0x60  }
0xae: {  	[dreg:$0x2] =	wrdreg s2  }
0xaf: {  	[dreg:$0x3] =	wrdreg s24  }
0xb0: {  	[dreg:$0x4] =	wrdreg $0x9  }
0xb1: {  	_ =	task.clear_ibuf [dreg:s7], $0x5FFFF;
	_ =	strace $0x90000046  }
0xb2: {  	s29 =	simm.s32 $0x9;
	_ =	strace $0x80000048  }
0xb3: {  	_ =	swait.ge [sflag:s29], $0x1  }
0xb4: {  	[sflag:s29] =	ssyncadd.s32 $0xFFFFFFFF  }
0xb5: {  	_ =	strace $0x90000048  }
0xb6: {  	_ =	sfence  }
0xb7: {  	s30 =	sld [smem:$0x0];
	_ =	sdelay $0x2  }
0xb8: {  	s31 =	sshll.u32 s1, $0xD;
	s1 =	sshrl.u32 s1, $0x2  }
0xb9: {  	s3 =	sand.u32 $0x4000, s31;
	s1 =	sadd.s32 s1, s30  }
0xba: {  	s0 =	sor.u32 s3, s0;
	s1 =	sshll.u32 s1, $0x11  }
0xbb: {  	s0 =	sor.u32 s1, s0  }
0xbc: {  	s0 =	sadd.s32 $0x8F2B, s0  }
0xbd: {  	[sflag:s0] =	ssyncadd.remote.s32 $0x1  }
0xbe: {  	_ =	sfence.sel $0xFFFF  }
0xbf: {  	[dreg:$0x0] =	wrdreg $0xFFFFFFFF;
	(pc) =	sbr.abs _section_cstart, $3  }
0xc0: {  	[dreg:$0x1] =	wrdreg $0xFFFFFFFF  }
0xc1: {  	_ =	task.clear_ibuf [dreg:s7], $0x2FFFF;
	_ =	strace $0x9FFFFFFF  }
0xc2: {  	(tm) =	ssettm $0x7FFFFFFF  }
0xc3: {  	_ =	shalt  }
tec
execute0_lowered:
.L_overlay_start_1:
0x0: {  	(tag) =	ssettag $0x1  }
0x1: {  	s5 =	rddreg [dreg:$0x0]  }
0x2: {  	s4 =	rddreg [dreg:$0x1]  }
0x3: {  	s0 =	rddreg [dreg:$0x2]  }
0x4: {  	s3 =	srdreg.scid;
	s1 =	stileid.u32  }
0x5: {  	s2 =	simm.s32 $0x0;
	s10 =	simm.s32 $0x6400;
	s11 =	simm.s32 $0xA400  }
0x6: {  	s12 =	simm.s32 $0x1;
	s13 =	simm.s32 $0x4000;
	s14 =	simm.s32 $0xE400  }
0x7: {  	s15 =	simm.s32 $0x2;
	s16 =	simm.s32 $0x4;
	s17 =	simm.s32 $0x12400  }
0x8: {  	s18 =	simm.s32 $0x3;
	s19 =	simm.s32 $0x0;
	s3 =	sand.u32 $0x1, s3  }
0x9: {  	s6 =	sshll.u32 s1, $0x1;
	[smem:$0x7FF] =	sst s2;
	s7 =	ssub.s32 $0x2, s3  }
0xa: {  	s6 =	sor.u32 s3, s6;
	_ =	strace $0x80000047;
	s3 =	sadd.s32 $0xF42A00, s4  }
0xb: {  	s4 =	sadd.s32 $0x600, s4;
	s8 =	sshrl.u32 s7, $0x1;
	s9 =	smul.u32 $0xC80, s6  }
0xc: {  	v0 =	vlaneseq.u32;
	s6 =	smul.u32 $0x32, s6;
	s7 =	ssub.s32 s7, s8;
	s8 =	simm.s32 $0x5  }
0xd: {  	v0 =	vmul.u32 $0x20, v0;
	s5 =	sadd.s32 s5, s9;
	s7 =	smax.u32 s7, $0x1;
	s9 =	simm.s32 $0x200  }
.LBB2_1:
0xe: {  	[tilespmem:s2], [sflag:$0x5] =	stream.linear.gather [hbm4b:s5+s2], $0x6400, $0x38;
	[tilespmem:$0x16400] =	vst v63  }
0xf: {  	_ =	swait.ge [sflag:s8], $0x6400  }
0x10: {  	[sflag:s8] =	ssyncset.done $0x0  }
0x11: {  	[sflag:s8] =	ssyncadd.s32 $0xFFFF9C00  }
0x12: {  	[tilespmem:s10], [sflag:$0x1] =	stream.indirect.gather [hbm4b:s3+s9], $0x20, s2, s9, $0xb8;
	[tilespmem:$0x16400] =	vst v63  }
0x13: {  	s20 =	simm.s32 $0x0  }
0x14: {  	[tilespmem:s11], [sflag:$0x2] =	stream.indirect.gather [hbm4b:s3+s9], $0x20, s9, s9, $0xb8;
	[tilespmem:$0x16400] =	vst v63  }
.LBB2_2:
0x15: {  	s21 =	simm.s32 $0x0  }
0x16: {  	v1 =	vmov s21  }
0x17: {  	_ =	swait.ge [sflag:s12], $0x4000;
	v1 =	vshll.u32 v1, $0x5  }
0x18: {  	p0 =	seq.s32 s20, $0x0;
	[sflag:s12] =	ssyncset.done $0x0;
	v1 =	vor.u32 v0, v1  }
0x19: {  	s21 =	simm.s32 @!p0 $0x3;
	[sflag:s12] =	ssyncadd.s32 $0xFFFFC000  }
0x1a: {  	_ =	swait.ge @!p0 [sflag:s21], $0x4000  }
0x1b: {  	[sflag:s21] =	ssyncset.done @!p0 $0x0  }
0x1c: {  	[sflag:s21] =	ssyncadd.s32 @!p0 $0xFFFFC000  }
0x1d: {  	v2 =	vld.idx.msk [tilespmem:v1+s10+$0x0], $0xffff  }
0x1e: {  	v3 =	vor.u32 $0x1, v1;
	_ =	sdelay $0x2  }
0x1f: {  	s23 =	simm.s32 $0x10400  }
0x20: {  	[tilespmem:s23+$0xFFFFE000] =	vst v2  }
0x21: {  	v2 =	vld.idx.msk [tilespmem:v3+s10+$0x0], $0xffff  }
0x22: {  	v3 =	vor.u32 $0x2, v1;
	_ =	sdelay $0x3  }
0x23: {  	[tilespmem:s23+$0xFFFFE200] =	vst v2  }
0x24: {  	v2 =	vld.idx.msk [tilespmem:v3+s10+$0x0], $0xffff  }
0x25: {  	v3 =	vor.u32 $0x3, v1;
	_ =	sdelay $0x3  }
0x26: {  	[tilespmem:s23+$0xFFFFE400] =	vst v2  }
0x27: {  	v2 =	vld.idx.msk [tilespmem:v3+s10+$0x0], $0xffff  }
0x28: {  	v3 =	vor.u32 $0x4, v1;
	_ =	sdelay $0x3  }
0x29: {  	[tilespmem:s23+$0xFFFFE600] =	vst v2  }
0x2a: {  	v2 =	vld.idx.msk [tilespmem:v3+s10+$0x0], $0xffff  }
0x2b: {  	v3 =	vor.u32 $0x5, v1;
	_ =	sdelay $0x3  }
0x2c: {  	[tilespmem:s23+$0xFFFFE800] =	vst v2  }
0x2d: {  	v2 =	vld.idx.msk [tilespmem:v3+s10+$0x0], $0xffff  }
0x2e: {  	v3 =	vor.u32 $0x6, v1;
	_ =	sdelay $0x3  }
0x2f: {  	[tilespmem:s23+$0xFFFFEA00] =	vst v2  }
0x30: {  	v2 =	vld.idx.msk [tilespmem:v3+s10+$0x0], $0xffff  }
0x31: {  	v3 =	vor.u32 $0x7, v1;
	_ =	sdelay $0x3  }
0x32: {  	[tilespmem:s23+$0xFFFFEC00] =	vst v2  }
0x33: {  	v2 =	vld.idx.msk [tilespmem:v3+s10+$0x0], $0xffff  }
0x34: {  	v3 =	vor.u32 $0x8, v1;
	_ =	sdelay $0x3  }
0x35: {  	[tilespmem:s23+$0xFFFFEE00] =	vst v2  }
0x36: {  	v2 =	vld.idx.msk [tilespmem:v3+s10+$0x0], $0xffff  }
0x37: {  	v3 =	vor.u32 $0x9, v1;
	_ =	sdelay $0x3  }
0x38: {  	[tilespmem:s23+$0xFFFFF000] =	vst v2  }
0x39: {  	v2 =	vld.idx.msk [tilespmem:v3+s10+$0x0], $0xffff  }
0x3a: {  	v3 =	vor.u32 $0xA, v1;
	_ =	sdelay $0x3  }
0x3b: {  	[tilespmem:s23+$0xFFFFF200] =	vst v2  }
0x3c: {  	v2 =	vld.idx.msk [tilespmem:v3+s10+$0x0], $0xffff  }
0x3d: {  	v3 =	vor.u32 $0xB, v1;
	_ =	sdelay $0x3  }
0x3e: {  	[tilespmem:s23+$0xFFFFF400] =	vst v2  }
0x3f: {  	v2 =	vld.idx.msk [tilespmem:v3+s10+$0x0], $0xffff  }
0x40: {  	v3 =	vor.u32 $0xC, v1;
	_ =	sdelay $0x3  }
0x41: {  	[tilespmem:s23+$0xFFFFF600] =	vst v2  }
0x42: {  	v2 =	vld.idx.msk [tilespmem:v3+s10+$0x0], $0xffff  }
0x43: {  	v3 =	vor.u32 $0xD, v1;
	_ =	sdelay $0x3  }
0x44: {  	[tilespmem:s23+$0xFFFFF800] =	vst v2  }
0x45: {  	v2 =	vld.idx.msk [tilespmem:v3+s10+$0x0], $0xffff  }
0x46: {  	v3 =	vor.u32 $0xE, v1;
	_ =	sdelay $0x3  }
0x47: {  	[tilespmem:s23+$0xFFFFFA00] =	vst v2  }
0x48: {  	v2 =	vld.idx.msk [tilespmem:v3+s10+$0x0], $0xffff  }
0x49: {  	v3 =	vor.u32 $0xF, v1;
	_ =	sdelay $0x3  }
0x4a: {  	[tilespmem:s23+$0xFFFFFC00] =	vst v2  }
0x4b: {  	v2 =	vld.idx.msk [tilespmem:v3+s10+$0x0], $0xffff  }
0x4c: {  	v3 =	vor.u32 $0x10, v1;
	_ =	sdelay $0x3  }
0x4d: {  	[tilespmem:s23+$0xFFFFFE00] =	vst v2  }
0x4e: {  	v2 =	vld.idx.msk [tilespmem:v3+s10+$0x0], $0xffff  }
0x4f: {  	v3 =	vor.u32 $0x11, v1;
	_ =	sdelay $0x3  }
0x50: {  	[tilespmem:s23+$0x0] =	vst v2  }
0x51: {  	v2 =	vld.idx.msk [tilespmem:v3+s10+$0x0], $0xffff  }
0x52: {  	v3 =	vor.u32 $0x12, v1;
	_ =	sdelay $0x3  }
0x53: {  	[tilespmem:s23+$0x200] =	vst v2  }
0x54: {  	v2 =	vld.idx.msk [tilespmem:v3+s10+$0x0], $0xffff  }
0x55: {  	v3 =	vor.u32 $0x13, v1;
	_ =	sdelay $0x3  }
0x56: {  	[tilespmem:s23+$0x400] =	vst v2  }
0x57: {  	v2 =	vld.idx.msk [tilespmem:v3+s10+$0x0], $0xffff  }
0x58: {  	v3 =	vor.u32 $0x14, v1;
	_ =	sdelay $0x3  }
0x59: {  	[tilespmem:s23+$0x600] =	vst v2  }
0x5a: {  	v2 =	vld.idx.msk [tilespmem:v3+s10+$0x0], $0xffff  }
0x5b: {  	v3 =	vor.u32 $0x15, v1;
	_ =	sdelay $0x3  }
0x5c: {  	[tilespmem:s23+$0x800] =	vst v2  }
0x5d: {  	v2 =	vld.idx.msk [tilespmem:v3+s10+$0x0], $0xffff  }
0x5e: {  	v3 =	vor.u32 $0x16, v1;
	_ =	sdelay $0x3  }
0x5f: {  	[tilespmem:s23+$0xA00] =	vst v2  }
0x60: {  	v2 =	vld.idx.msk [tilespmem:v3+s10+$0x0], $0xffff  }
0x61: {  	v3 =	vor.u32 $0x17, v1;
	_ =	sdelay $0x3  }
0x62: {  	[tilespmem:s23+$0xC00] =	vst v2  }
0x63: {  	v2 =	vld.idx.msk [tilespmem:v3+s10+$0x0], $0xffff  }
0x64: {  	v3 =	vor.u32 $0x18, v1;
	_ =	sdelay $0x3  }
0x65: {  	[tilespmem:s23+$0xE00] =	vst v2  }
0x66: {  	v2 =	vld.idx.msk [tilespmem:v3+s10+$0x0], $0xffff  }
0x67: {  	v3 =	vor.u32 $0x19, v1;
	_ =	sdelay $0x3  }
0x68: {  	[tilespmem:s23+$0x1000] =	vst v2  }
0x69: {  	v2 =	vld.idx.msk [tilespmem:v3+s10+$0x0], $0xffff  }
0x6a: {  	v3 =	vor.u32 $0x1A, v1;
	_ =	sdelay $0x3  }
0x6b: {  	[tilespmem:s23+$0x1200] =	vst v2  }
0x6c: {  	v2 =	vld.idx.msk [tilespmem:v3+s10+$0x0], $0xffff  }
0x6d: {  	v3 =	vor.u32 $0x1B, v1;
	_ =	sdelay $0x3  }
0x6e: {  	[tilespmem:s23+$0x1400] =	vst v2  }
0x6f: {  	v2 =	vld.idx.msk [tilespmem:v3+s10+$0x0], $0xffff  }
0x70: {  	v3 =	vor.u32 $0x1C, v1;
	_ =	sdelay $0x3  }
0x71: {  	[tilespmem:s23+$0x1600] =	vst v2  }
0x72: {  	v2 =	vld.idx.msk [tilespmem:v3+s10+$0x0], $0xffff  }
0x73: {  	v3 =	vor.u32 $0x1D, v1;
	_ =	sdelay $0x3  }
0x74: {  	[tilespmem:s23+$0x1800] =	vst v2  }
0x75: {  	v2 =	vld.idx.msk [tilespmem:v3+s10+$0x0], $0xffff  }
0x76: {  	v3 =	vor.u32 $0x1E, v1;
	_ =	sdelay $0x3  }
0x77: {  	[tilespmem:s23+$0x1A00] =	vst v2  }
0x78: {  	v2 =	vld.idx.msk [tilespmem:v3+s10+$0x0], $0xffff  }
0x79: {  	v3 =	vor.u32 $0x1F, v1;
	_ =	sdelay $0x3  }
0x7a: {  	s24 =	simm.s32 $0x10;
	[tilespmem:s23+$0x1C00] =	vst v2  }
0x7b: {  	s22 =	sshll.u32 s20, $0x1;
	s21 =	sshllo.u32 s20, $0x1;
	v1 =	vmov s24;
	s24 =	simm.s32 $0x20;
	v2 =	vld.idx.msk [tilespmem:v3+s10+$0x0], $0xffff  }
.LBB2_3:
0x7c: {  	p1 =	sne.s32 s24, $0x1F0;
	v1 =	vshll.u32 v1, $0x5  }
0x7d: {  	v1 =	vor.u32 v0, v1;
	_ =	sdelay $0x3  }
0x7e: {  	[tilespmem:s23+$0x1E00] =	vst v2  }
0x7f: {  	v2 =	vld.idx.msk [tilespmem:v1+s10+$0x0], $0xffff;
	_ =	sdelay $0x1  }
0x80: {  	v3 =	vor.u32 $0x1, v1;
	_ =	sdelay $0x2  }
0x81: {  	s23 =	sadd.s32 $0x10, s23  }
0x82: {  	[tilespmem:s23+$0xFFFFE000] =	vst v2  }
0x83: {  	v2 =	vld.idx.msk [tilespmem:v3+s10+$0x0], $0xffff;
	_ =	sdelay $0x1  }
0x84: {  	v3 =	vor.u32 $0x2, v1;
	_ =	sdelay $0x3  }
0x85: {  	[tilespmem:s23+$0xFFFFE200] =	vst v2  }
0x86: {  	v2 =	vld.idx.msk [tilespmem:v3+s10+$0x0], $0xffff;
	_ =	sdelay $0x1  }
0x87: {  	v3 =	vor.u32 $0x3, v1;
	_ =	sdelay $0x3  }
0x88: {  	[tilespmem:s23+$0xFFFFE400] =	vst v2  }
0x89: {  	v2 =	vld.idx.msk [tilespmem:v3+s10+$0x0], $0xffff;
	_ =	sdelay $0x1  }
0x8a: {  	v3 =	vor.u32 $0x4, v1;
	_ =	sdelay $0x3  }
0x8b: {  	[tilespmem:s23+$0xFFFFE600] =	vst v2  }
0x8c: {  	v2 =	vld.idx.msk [tilespmem:v3+s10+$0x0], $0xffff;
	_ =	sdelay $0x1  }
0x8d: {  	v3 =	vor.u32 $0x5, v1;
	_ =	sdelay $0x3  }
0x8e: {  	[tilespmem:s23+$0xFFFFE800] =	vst v2  }
0x8f: {  	v2 =	vld.idx.msk [tilespmem:v3+s10+$0x0], $0xffff;
	_ =	sdelay $0x1  }
0x90: {  	v3 =	vor.u32 $0x6, v1;
	_ =	sdelay $0x3  }
0x91: {  	[tilespmem:s23+$0xFFFFEA00] =	vst v2  }
0x92: {  	v2 =	vld.idx.msk [tilespmem:v3+s10+$0x0], $0xffff;
	_ =	sdelay $0x1  }
0x93: {  	v3 =	vor.u32 $0x7, v1;
	_ =	sdelay $0x3  }
0x94: {  	[tilespmem:s23+$0xFFFFEC00] =	vst v2  }
0x95: {  	v2 =	vld.idx.msk [tilespmem:v3+s10+$0x0], $0xffff;
	_ =	sdelay $0x1  }
0x96: {  	v3 =	vor.u32 $0x8, v1;
	_ =	sdelay $0x3  }
0x97: {  	[tilespmem:s23+$0xFFFFEE00] =	vst v2  }
0x98: {  	v2 =	vld.idx.msk [tilespmem:v3+s10+$0x0], $0xffff;
	_ =	sdelay $0x1  }
0x99: {  	v3 =	vor.u32 $0x9, v1;
	_ =	sdelay $0x3  }
0x9a: {  	[tilespmem:s23+$0xFFFFF000] =	vst v2  }
0x9b: {  	v2 =	vld.idx.msk [tilespmem:v3+s10+$0x0], $0xffff;
	_ =	sdelay $0x1  }
0x9c: {  	v3 =	vor.u32 $0xA, v1;
	_ =	sdelay $0x3  }
0x9d: {  	[tilespmem:s23+$0xFFFFF200] =	vst v2  }
0x9e: {  	v2 =	vld.idx.msk [tilespmem:v3+s10+$0x0], $0xffff;
	_ =	sdelay $0x1  }
0x9f: {  	v3 =	vor.u32 $0xB, v1;
	_ =	sdelay $0x3  }
0xa0: {  	[tilespmem:s23+$0xFFFFF400] =	vst v2  }
0xa1: {  	v2 =	vld.idx.msk [tilespmem:v3+s10+$0x0], $0xffff;
	_ =	sdelay $0x1  }
0xa2: {  	v3 =	vor.u32 $0xC, v1;
	_ =	sdelay $0x3  }
0xa3: {  	[tilespmem:s23+$0xFFFFF600] =	vst v2  }
0xa4: {  	v2 =	vld.idx.msk [tilespmem:v3+s10+$0x0], $0xffff;
	_ =	sdelay $0x1  }
0xa5: {  	v3 =	vor.u32 $0xD, v1;
	_ =	sdelay $0x3  }
0xa6: {  	[tilespmem:s23+$0xFFFFF800] =	vst v2  }
0xa7: {  	v2 =	vld.idx.msk [tilespmem:v3+s10+$0x0], $0xffff;
	_ =	sdelay $0x1  }
0xa8: {  	v3 =	vor.u32 $0xE, v1;
	_ =	sdelay $0x3  }
0xa9: {  	[tilespmem:s23+$0xFFFFFA00] =	vst v2  }
0xaa: {  	v2 =	vld.idx.msk [tilespmem:v3+s10+$0x0], $0xffff;
	_ =	sdelay $0x1  }
0xab: {  	v3 =	vor.u32 $0xF, v1;
	_ =	sdelay $0x3  }
0xac: {  	[tilespmem:s23+$0xFFFFFC00] =	vst v2  }
0xad: {  	v2 =	vld.idx.msk [tilespmem:v3+s10+$0x0], $0xffff;
	_ =	sdelay $0x1  }
0xae: {  	v3 =	vor.u32 $0x10, v1;
	_ =	sdelay $0x3  }
0xaf: {  	[tilespmem:s23+$0xFFFFFE00] =	vst v2  }
0xb0: {  	v2 =	vld.idx.msk [tilespmem:v3+s10+$0x0], $0xffff;
	_ =	sdelay $0x1  }
0xb1: {  	v3 =	vor.u32 $0x11, v1;
	_ =	sdelay $0x3  }
0xb2: {  	[tilespmem:s23+$0x0] =	vst v2  }
0xb3: {  	v2 =	vld.idx.msk [tilespmem:v3+s10+$0x0], $0xffff;
	_ =	sdelay $0x1  }
0xb4: {  	v3 =	vor.u32 $0x12, v1;
	_ =	sdelay $0x3  }
0xb5: {  	[tilespmem:s23+$0x200] =	vst v2  }
0xb6: {  	v2 =	vld.idx.msk [tilespmem:v3+s10+$0x0], $0xffff;
	_ =	sdelay $0x1  }
0xb7: {  	v3 =	vor.u32 $0x13, v1;
	_ =	sdelay $0x3  }
0xb8: {  	[tilespmem:s23+$0x400] =	vst v2  }
0xb9: {  	v2 =	vld.idx.msk [tilespmem:v3+s10+$0x0], $0xffff;
	_ =	sdelay $0x1  }
0xba: {  	v3 =	vor.u32 $0x14, v1;
	_ =	sdelay $0x3  }
0xbb: {  	[tilespmem:s23+$0x600] =	vst v2  }
0xbc: {  	v2 =	vld.idx.msk [tilespmem:v3+s10+$0x0], $0xffff;
	_ =	sdelay $0x1  }
0xbd: {  	v3 =	vor.u32 $0x15, v1;
	_ =	sdelay $0x3  }
0xbe: {  	[tilespmem:s23+$0x800] =	vst v2  }
0xbf: {  	v2 =	vld.idx.msk [tilespmem:v3+s10+$0x0], $0xffff;
	_ =	sdelay $0x1  }
0xc0: {  	v3 =	vor.u32 $0x16, v1;
	_ =	sdelay $0x3  }
0xc1: {  	[tilespmem:s23+$0xA00] =	vst v2  }
0xc2: {  	v2 =	vld.idx.msk [tilespmem:v3+s10+$0x0], $0xffff;
	_ =	sdelay $0x1  }
0xc3: {  	v3 =	vor.u32 $0x17, v1;
	_ =	sdelay $0x3  }
0xc4: {  	[tilespmem:s23+$0xC00] =	vst v2  }
0xc5: {  	v2 =	vld.idx.msk [tilespmem:v3+s10+$0x0], $0xffff;
	_ =	sdelay $0x1  }
0xc6: {  	v3 =	vor.u32 $0x18, v1;
	_ =	sdelay $0x3  }
0xc7: {  	[tilespmem:s23+$0xE00] =	vst v2  }
0xc8: {  	v2 =	vld.idx.msk [tilespmem:v3+s10+$0x0], $0xffff;
	_ =	sdelay $0x1  }
0xc9: {  	v3 =	vor.u32 $0x19, v1;
	_ =	sdelay $0x3  }
0xca: {  	[tilespmem:s23+$0x1000] =	vst v2  }
0xcb: {  	v2 =	vld.idx.msk [tilespmem:v3+s10+$0x0], $0xffff;
	_ =	sdelay $0x1  }
0xcc: {  	v3 =	vor.u32 $0x1A, v1;
	_ =	sdelay $0x3  }
0xcd: {  	[tilespmem:s23+$0x1200] =	vst v2  }
0xce: {  	v2 =	vld.idx.msk [tilespmem:v3+s10+$0x0], $0xffff;
	_ =	sdelay $0x1  }
0xcf: {  	v3 =	vor.u32 $0x1B, v1;
	_ =	sdelay $0x3  }
0xd0: {  	[tilespmem:s23+$0x1400] =	vst v2  }
0xd1: {  	v2 =	vld.idx.msk [tilespmem:v3+s10+$0x0], $0xffff;
	_ =	sdelay $0x1  }
0xd2: {  	v3 =	vor.u32 $0x1C, v1;
	_ =	sdelay $0x3  }
0xd3: {  	[tilespmem:s23+$0x1600] =	vst v2  }
0xd4: {  	v2 =	vld.idx.msk [tilespmem:v3+s10+$0x0], $0xffff;
	_ =	sdelay $0x1  }
0xd5: {  	v3 =	vor.u32 $0x1D, v1;
	_ =	sdelay $0x3  }
0xd6: {  	[tilespmem:s23+$0x1800] =	vst v2  }
0xd7: {  	v2 =	vld.idx.msk [tilespmem:v3+s10+$0x0], $0xffff;
	_ =	sdelay $0x1  }
0xd8: {  	v3 =	vor.u32 $0x1E, v1;
	_ =	sdelay $0x3  }
0xd9: {  	[tilespmem:s23+$0x1A00] =	vst v2  }
0xda: {  	v2 =	vld.idx.msk [tilespmem:v3+s10+$0x0], $0xffff;
	_ =	sdelay $0x1  }
0xdb: {  	v3 =	vor.u32 $0x1F, v1  }
.Ltmp0:
0xdc: {  	(pc) =	sbr.rel @p1 .LBB2_3-.Ltmp0, $3  }
0xdd: {  	_ =	sdelay $0x1  }
0xde: {  	[tilespmem:s23+$0x1C00] =	vst v2  }
0xdf: {  	v1 =	vmov s24;
	s24 =	sadd.s32 $0x10, s24;
	v2 =	vld.idx.msk [tilespmem:v3+s10+$0x0], $0xffff  }
0xe0: {  	v1 =	vshll.u32 v1, $0x5  }
0xe1: {  	v1 =	vor.u32 v0, v1;
	_ =	sdelay $0x3  }
0xe2: {  	[tilespmem:s23+$0x1E00] =	vst v2  }
0xe3: {  	v2 =	vld.idx.msk [tilespmem:v1+s10+$0x0], $0xffff  }
0xe4: {  	v3 =	vor.u32 $0x1, v1;
	_ =	sdelay $0x2  }
0xe5: {  	s31 =	sadd.s32 $0x10, s23  }
0xe6: {  	[tilespmem:s31+$0xFFFFE000] =	vst v2  }
0xe7: {  	v2 =	vld.idx.msk [tilespmem:v3+s10+$0x0], $0xffff  }
0xe8: {  	v3 =	vor.u32 $0x2, v1;
	_ =	sdelay $0x3  }
0xe9: {  	[tilespmem:s31+$0xFFFFE200] =	vst v2  }
0xea: {  	v2 =	vld.idx.msk [tilespmem:v3+s10+$0x0], $0xffff  }
0xeb: {  	v3 =	vor.u32 $0x3, v1;
	_ =	sdelay $0x3  }
0xec: {  	[tilespmem:s31+$0xFFFFE400] =	vst v2  }
0xed: {  	v2 =	vld.idx.msk [tilespmem:v3+s10+$0x0], $0xffff  }
0xee: {  	v3 =	vor.u32 $0x4, v1;
	_ =	sdelay $0x3  }
0xef: {  	[tilespmem:s31+$0xFFFFE600] =	vst v2  }
0xf0: {  	v2 =	vld.idx.msk [tilespmem:v3+s10+$0x0], $0xffff  }
0xf1: {  	v3 =	vor.u32 $0x5, v1;
	_ =	sdelay $0x3  }
0xf2: {  	[tilespmem:s31+$0xFFFFE800] =	vst v2  }
0xf3: {  	v2 =	vld.idx.msk [tilespmem:v3+s10+$0x0], $0xffff  }
0xf4: {  	v3 =	vor.u32 $0x6, v1;
	_ =	sdelay $0x3  }
0xf5: {  	[tilespmem:s31+$0xFFFFEA00] =	vst v2  }
0xf6: {  	v2 =	vld.idx.msk [tilespmem:v3+s10+$0x0], $0xffff  }
0xf7: {  	v3 =	vor.u32 $0x7, v1;
	_ =	sdelay $0x3  }
0xf8: {  	[tilespmem:s31+$0xFFFFEC00] =	vst v2  }
0xf9: {  	v2 =	vld.idx.msk [tilespmem:v3+s10+$0x0], $0xffff  }
0xfa: {  	v3 =	vor.u32 $0x8, v1;
	_ =	sdelay $0x3  }
0xfb: {  	[tilespmem:s31+$0xFFFFEE00] =	vst v2  }
0xfc: {  	v2 =	vld.idx.msk [tilespmem:v3+s10+$0x0], $0xffff  }
0xfd: {  	v3 =	vor.u32 $0x9, v1;
	_ =	sdelay $0x3  }
0xfe: {  	[tilespmem:s31+$0xFFFFF000] =	vst v2  }
0xff: {  	v2 =	vld.idx.msk [tilespmem:v3+s10+$0x0], $0xffff  }
0x100: {  	v3 =	vor.u32 $0xA, v1;
	_ =	sdelay $0x3  }
0x101: {  	[tilespmem:s31+$0xFFFFF200] =	vst v2  }
0x102: {  	v2 =	vld.idx.msk [tilespmem:v3+s10+$0x0], $0xffff  }
0x103: {  	v3 =	vor.u32 $0xB, v1;
	_ =	sdelay $0x3  }
0x104: {  	[tilespmem:s31+$0xFFFFF400] =	vst v2  }
0x105: {  	v2 =	vld.idx.msk [tilespmem:v3+s10+$0x0], $0xffff  }
0x106: {  	v3 =	vor.u32 $0xC, v1;
	_ =	sdelay $0x3  }
0x107: {  	[tilespmem:s31+$0xFFFFF600] =	vst v2  }
0x108: {  	v2 =	vld.idx.msk [tilespmem:v3+s10+$0x0], $0xffff  }
0x109: {  	v3 =	vor.u32 $0xD, v1;
	_ =	sdelay $0x3  }
0x10a: {  	[tilespmem:s31+$0xFFFFF800] =	vst v2  }
0x10b: {  	v2 =	vld.idx.msk [tilespmem:v3+s10+$0x0], $0xffff  }
0x10c: {  	v3 =	vor.u32 $0xE, v1;
	_ =	sdelay $0x3  }
0x10d: {  	[tilespmem:s31+$0xFFFFFA00] =	vst v2  }
0x10e: {  	v2 =	vld.idx.msk [tilespmem:v3+s10+$0x0], $0xffff  }
0x10f: {  	v3 =	vor.u32 $0xF, v1;
	_ =	sdelay $0x3  }
0x110: {  	[tilespmem:s31+$0xFFFFFC00] =	vst v2  }
0x111: {  	v2 =	vld.idx.msk [tilespmem:v3+s10+$0x0], $0xffff  }
0x112: {  	v3 =	vor.u32 $0x10, v1;
	_ =	sdelay $0x3  }
0x113: {  	[tilespmem:s31+$0xFFFFFE00] =	vst v2  }
0x114: {  	v2 =	vld.idx.msk [tilespmem:v3+s10+$0x0], $0xffff  }
0x115: {  	v3 =	vor.u32 $0x11, v1;
	_ =	sdelay $0x3  }
0x116: {  	[tilespmem:s31+$0x0] =	vst v2  }
0x117: {  	v2 =	vld.idx.msk [tilespmem:v3+s10+$0x0], $0xffff  }
0x118: {  	v3 =	vor.u32 $0x12, v1;
	_ =	sdelay $0x3  }
0x119: {  	[tilespmem:s31+$0x200] =	vst v2  }
0x11a: {  	v2 =	vld.idx.msk [tilespmem:v3+s10+$0x0], $0xffff  }
0x11b: {  	v3 =	vor.u32 $0x13, v1;
	_ =	sdelay $0x3  }
0x11c: {  	[tilespmem:s31+$0x400] =	vst v2  }
0x11d: {  	v2 =	vld.idx.msk [tilespmem:v3+s10+$0x0], $0xffff  }
0x11e: {  	v3 =	vor.u32 $0x14, v1;
	_ =	sdelay $0x3  }
0x11f: {  	[tilespmem:s31+$0x600] =	vst v2  }
0x120: {  	v2 =	vld.idx.msk [tilespmem:v3+s10+$0x0], $0xffff  }
0x121: {  	v3 =	vor.u32 $0x15, v1;
	_ =	sdelay $0x3  }
0x122: {  	[tilespmem:s31+$0x800] =	vst v2  }
0x123: {  	v2 =	vld.idx.msk [tilespmem:v3+s10+$0x0], $0xffff  }
0x124: {  	v3 =	vor.u32 $0x16, v1;
	_ =	sdelay $0x3  }
0x125: {  	[tilespmem:s31+$0xA00] =	vst v2  }
0x126: {  	v2 =	vld.idx.msk [tilespmem:v3+s10+$0x0], $0xffff  }
0x127: {  	v3 =	vor.u32 $0x17, v1;
	_ =	sdelay $0x3  }
0x128: {  	[tilespmem:s31+$0xC00] =	vst v2  }
0x129: {  	v2 =	vld.idx.msk [tilespmem:v3+s10+$0x0], $0xffff  }
0x12a: {  	v3 =	vor.u32 $0x18, v1;
	_ =	sdelay $0x3  }
0x12b: {  	[tilespmem:s31+$0xE00] =	vst v2  }
0x12c: {  	v2 =	vld.idx.msk [tilespmem:v3+s10+$0x0], $0xffff  }
0x12d: {  	v3 =	vor.u32 $0x19, v1;
	_ =	sdelay $0x3  }
0x12e: {  	[tilespmem:s31+$0x1000] =	vst v2  }
0x12f: {  	v2 =	vld.idx.msk [tilespmem:v3+s10+$0x0], $0xffff  }
0x130: {  	v3 =	vor.u32 $0x1A, v1;
	_ =	sdelay $0x3  }
0x131: {  	[tilespmem:s31+$0x1200] =	vst v2  }
0x132: {  	v2 =	vld.idx.msk [tilespmem:v3+s10+$0x0], $0xffff  }
0x133: {  	v3 =	vor.u32 $0x1B, v1;
	_ =	sdelay $0x3  }
0x134: {  	[tilespmem:s31+$0x1400] =	vst v2  }
0x135: {  	v2 =	vld.idx.msk [tilespmem:v3+s10+$0x0], $0xffff  }
0x136: {  	v3 =	vor.u32 $0x1C, v1;
	_ =	sdelay $0x3  }
0x137: {  	[tilespmem:s31+$0x1600] =	vst v2  }
0x138: {  	v2 =	vld.idx.msk [tilespmem:v3+s10+$0x0], $0xffff  }
0x139: {  	v3 =	vor.u32 $0x1D, v1;
	_ =	sdelay $0x3  }
0x13a: {  	[tilespmem:s31+$0x1800] =	vst v2  }
0x13b: {  	v2 =	vld.idx.msk [tilespmem:v3+s10+$0x0], $0xffff  }
0x13c: {  	v3 =	vor.u32 $0x1E, v1;
	_ =	sdelay $0x3  }
0x13d: {  	[tilespmem:s31+$0x1A00] =	vst v2  }
0x13e: {  	v2 =	vld.idx.msk [tilespmem:v3+s10+$0x0], $0xffff  }
0x13f: {  	v1 =	vor.u32 $0x1F, v1;
	_ =	sdelay $0x3  }
0x140: {  	[tilespmem:s31+$0x1C00] =	vst v2  }
0x141: {  	v1 =	vld.idx.msk [tilespmem:v1+s10+$0x0], $0xffff  }
0x142: {  	s22 =	sadd.s32 s6, s22;
	p1 =	sne.s32 s20, $0x18  }
.Ltmp1:
0x143: {  	s24 =	sshll.u32 s22, $0x6;
	(pc) =	sbr.rel @p1 .LBB2_6-.Ltmp1, $4  }
0x144: {  	s22 =	sshll.u32 s22, $0xB;
	s24 =	sand.u32 $0x780, s24  }
0x145: {  	s22 =	sand.u32 $0xFFF0000, s22;
	s24 =	sadd.s32 s4, s24  }
0x146: {  	s22 =	sadd.s32 s22, s24;
	[tilespmem:s31+$0x1E00] =	vst v1  }
0x147: {  	[hbm4b:s22+s9] =	stream.strided.scatter [tilespmem:s14], [sflag:$0x3], $0x4000, s13, s9, $0x38;
	[tilespmem:$0x16400] =	vst v63  }
.Ltmp2:
0x148: {  	(pc) =	sbr.rel .LBB2_7-.Ltmp2, $4  }
0x149: {  	_ = 	snop  }
0x14a: {  	_ =	swait.ge [sflag:s15], $0x4000  }
0x14b: {  	[sflag:s15] =	ssyncset.done $0x0  }
0x14c: {  	[sflag:s15] =	ssyncadd.s32 $0xFFFFC000  }
.LBB2_6:
0x14d: {  	s22 =	sshll.u32 s20, $0xA  }
0x14e: {  	s22 =	sand.u32 $0x3FFFFC00, s22  }
.Ltmp3:
0x14f: {  	s22 =	sadd.s32 $0x400, s22;
	(pc) =	sbr.rel @p0 .LBB2_8-.Ltmp3, $4  }
0x150: {  	[tilespmem:s10], [sflag:$0x1] =	stream.indirect.gather [hbm4b:s3+s9], $0x20, s22, s9, $0xb8;
	[tilespmem:$0x16400] =	vst v63  }
0x151: {  	_ =	swait.ge [sflag:s15], $0x4000  }
0x152: {  	[sflag:s15] =	ssyncset.done $0x0  }
0x153: {  	[sflag:s15] =	ssyncadd.s32 $0xFFFFC000  }
.LBB2_7:
0x154: {  	_ =	swait.ge [sflag:s16], $0x4000  }
0x155: {  	[sflag:s16] =	ssyncset.done $0x0  }
0x156: {  	[sflag:s16] =	ssyncadd.s32 $0xFFFFC000  }
.LBB2_8:
0x157: {  	s22 =	simm.s32 $0x0  }
0x158: {  	v1 =	vmov s22  }
0x159: {  	v1 =	vshll.u32 v1, $0x5  }
0x15a: {  	v1 =	vor.u32 v0, v1;
	_ =	sdelay $0x4  }
0x15b: {  	v2 =	vld.idx.msk [tilespmem:v1+s11+$0x0], $0xffff  }
0x15c: {  	v3 =	vor.u32 $0x1, v1;
	_ =	sdelay $0x2  }
0x15d: {  	s23 =	simm.s32 $0x14400  }
0x15e: {  	[tilespmem:s23+$0xFFFFE000] =	vst v2  }
0x15f: {  	v2 =	vld.idx.msk [tilespmem:v3+s11+$0x0], $0xffff  }
0x160: {  	v3 =	vor.u32 $0x2, v1;
	_ =	sdelay $0x3  }
0x161: {  	[tilespmem:s23+$0xFFFFE200] =	vst v2  }
0x162: {  	v2 =	vld.idx.msk [tilespmem:v3+s11+$0x0], $0xffff  }
0x163: {  	v3 =	vor.u32 $0x3, v1;
	_ =	sdelay $0x3  }
0x164: {  	[tilespmem:s23+$0xFFFFE400] =	vst v2  }
0x165: {  	v2 =	vld.idx.msk [tilespmem:v3+s11+$0x0], $0xffff  }
0x166: {  	v3 =	vor.u32 $0x4, v1;
	_ =	sdelay $0x3  }
0x167: {  	[tilespmem:s23+$0xFFFFE600] =	vst v2  }
0x168: {  	v2 =	vld.idx.msk [tilespmem:v3+s11+$0x0], $0xffff  }
0x169: {  	v3 =	vor.u32 $0x5, v1;
	_ =	sdelay $0x3  }
0x16a: {  	[tilespmem:s23+$0xFFFFE800] =	vst v2  }
0x16b: {  	v2 =	vld.idx.msk [tilespmem:v3+s11+$0x0], $0xffff  }
0x16c: {  	v3 =	vor.u32 $0x6, v1;
	_ =	sdelay $0x3  }
0x16d: {  	[tilespmem:s23+$0xFFFFEA00] =	vst v2  }
0x16e: {  	v2 =	vld.idx.msk [tilespmem:v3+s11+$0x0], $0xffff  }
0x16f: {  	v3 =	vor.u32 $0x7, v1;
	_ =	sdelay $0x3  }
0x170: {  	[tilespmem:s23+$0xFFFFEC00] =	vst v2  }
0x171: {  	v2 =	vld.idx.msk [tilespmem:v3+s11+$0x0], $0xffff  }
0x172: {  	v3 =	vor.u32 $0x8, v1;
	_ =	sdelay $0x3  }
0x173: {  	[tilespmem:s23+$0xFFFFEE00] =	vst v2  }
0x174: {  	v2 =	vld.idx.msk [tilespmem:v3+s11+$0x0], $0xffff  }
0x175: {  	v3 =	vor.u32 $0x9, v1;
	_ =	sdelay $0x3  }
0x176: {  	[tilespmem:s23+$0xFFFFF000] =	vst v2  }
0x177: {  	v2 =	vld.idx.msk [tilespmem:v3+s11+$0x0], $0xffff  }
0x178: {  	v3 =	vor.u32 $0xA, v1;
	_ =	sdelay $0x3  }
0x179: {  	[tilespmem:s23+$0xFFFFF200] =	vst v2  }
0x17a: {  	v2 =	vld.idx.msk [tilespmem:v3+s11+$0x0], $0xffff  }
0x17b: {  	v3 =	vor.u32 $0xB, v1;
	_ =	sdelay $0x3  }
0x17c: {  	[tilespmem:s23+$0xFFFFF400] =	vst v2  }
0x17d: {  	v2 =	vld.idx.msk [tilespmem:v3+s11+$0x0], $0xffff  }
0x17e: {  	v3 =	vor.u32 $0xC, v1;
	_ =	sdelay $0x3  }
0x17f: {  	[tilespmem:s23+$0xFFFFF600] =	vst v2  }
0x180: {  	v2 =	vld.idx.msk [tilespmem:v3+s11+$0x0], $0xffff  }
0x181: {  	v3 =	vor.u32 $0xD, v1;
	_ =	sdelay $0x3  }
0x182: {  	[tilespmem:s23+$0xFFFFF800] =	vst v2  }
0x183: {  	v2 =	vld.idx.msk [tilespmem:v3+s11+$0x0], $0xffff  }
0x184: {  	v3 =	vor.u32 $0xE, v1;
	_ =	sdelay $0x3  }
0x185: {  	[tilespmem:s23+$0xFFFFFA00] =	vst v2  }
0x186: {  	v2 =	vld.idx.msk [tilespmem:v3+s11+$0x0], $0xffff  }
0x187: {  	v3 =	vor.u32 $0xF, v1;
	_ =	sdelay $0x3  }
0x188: {  	[tilespmem:s23+$0xFFFFFC00] =	vst v2  }
0x189: {  	v2 =	vld.idx.msk [tilespmem:v3+s11+$0x0], $0xffff  }
0x18a: {  	v3 =	vor.u32 $0x10, v1;
	_ =	sdelay $0x3  }
0x18b: {  	[tilespmem:s23+$0xFFFFFE00] =	vst v2  }
0x18c: {  	v2 =	vld.idx.msk [tilespmem:v3+s11+$0x0], $0xffff  }
0x18d: {  	v3 =	vor.u32 $0x11, v1;
	_ =	sdelay $0x3  }
0x18e: {  	[tilespmem:s23+$0x0] =	vst v2  }
0x18f: {  	v2 =	vld.idx.msk [tilespmem:v3+s11+$0x0], $0xffff  }
0x190: {  	v3 =	vor.u32 $0x12, v1;
	_ =	sdelay $0x3  }
0x191: {  	[tilespmem:s23+$0x200] =	vst v2  }
0x192: {  	v2 =	vld.idx.msk [tilespmem:v3+s11+$0x0], $0xffff  }
0x193: {  	v3 =	vor.u32 $0x13, v1;
	_ =	sdelay $0x3  }
0x194: {  	[tilespmem:s23+$0x400] =	vst v2  }
0x195: {  	v2 =	vld.idx.msk [tilespmem:v3+s11+$0x0], $0xffff  }
0x196: {  	v3 =	vor.u32 $0x14, v1;
	_ =	sdelay $0x3  }
0x197: {  	[tilespmem:s23+$0x600] =	vst v2  }
0x198: {  	v2 =	vld.idx.msk [tilespmem:v3+s11+$0x0], $0xffff  }
0x199: {  	v3 =	vor.u32 $0x15, v1;
	_ =	sdelay $0x3  }
0x19a: {  	[tilespmem:s23+$0x800] =	vst v2  }
0x19b: {  	v2 =	vld.idx.msk [tilespmem:v3+s11+$0x0], $0xffff  }
0x19c: {  	v3 =	vor.u32 $0x16, v1;
	_ =	sdelay $0x3  }
0x19d: {  	[tilespmem:s23+$0xA00] =	vst v2  }
0x19e: {  	v2 =	vld.idx.msk [tilespmem:v3+s11+$0x0], $0xffff  }
0x19f: {  	v3 =	vor.u32 $0x17, v1;
	_ =	sdelay $0x3  }
0x1a0: {  	[tilespmem:s23+$0xC00] =	vst v2  }
0x1a1: {  	v2 =	vld.idx.msk [tilespmem:v3+s11+$0x0], $0xffff  }
0x1a2: {  	v3 =	vor.u32 $0x18, v1;
	_ =	sdelay $0x3  }
0x1a3: {  	[tilespmem:s23+$0xE00] =	vst v2  }
0x1a4: {  	v2 =	vld.idx.msk [tilespmem:v3+s11+$0x0], $0xffff  }
0x1a5: {  	v3 =	vor.u32 $0x19, v1;
	_ =	sdelay $0x3  }
0x1a6: {  	[tilespmem:s23+$0x1000] =	vst v2  }
0x1a7: {  	v2 =	vld.idx.msk [tilespmem:v3+s11+$0x0], $0xffff  }
0x1a8: {  	v3 =	vor.u32 $0x1A, v1;
	_ =	sdelay $0x3  }
0x1a9: {  	[tilespmem:s23+$0x1200] =	vst v2  }
0x1aa: {  	v2 =	vld.idx.msk [tilespmem:v3+s11+$0x0], $0xffff  }
0x1ab: {  	v3 =	vor.u32 $0x1B, v1;
	_ =	sdelay $0x3  }
0x1ac: {  	[tilespmem:s23+$0x1400] =	vst v2  }
0x1ad: {  	v2 =	vld.idx.msk [tilespmem:v3+s11+$0x0], $0xffff  }
0x1ae: {  	v3 =	vor.u32 $0x1C, v1;
	_ =	sdelay $0x3  }
0x1af: {  	[tilespmem:s23+$0x1600] =	vst v2  }
0x1b0: {  	v2 =	vld.idx.msk [tilespmem:v3+s11+$0x0], $0xffff  }
0x1b1: {  	v3 =	vor.u32 $0x1D, v1;
	_ =	sdelay $0x3  }
0x1b2: {  	[tilespmem:s23+$0x1800] =	vst v2  }
0x1b3: {  	v2 =	vld.idx.msk [tilespmem:v3+s11+$0x0], $0xffff  }
0x1b4: {  	v3 =	vor.u32 $0x1E, v1;
	_ =	sdelay $0x3  }
0x1b5: {  	[tilespmem:s23+$0x1A00] =	vst v2  }
0x1b6: {  	v2 =	vld.idx.msk [tilespmem:v3+s11+$0x0], $0xffff  }
0x1b7: {  	v3 =	vor.u32 $0x1F, v1;
	_ =	sdelay $0x3  }
0x1b8: {  	s24 =	simm.s32 $0x10;
	[tilespmem:s23+$0x1C00] =	vst v2  }
0x1b9: {  	s22 =	sadd.s32 $0x1, s20;
	v1 =	vmov s24;
	s24 =	simm.s32 $0x20;
	v2 =	vld.idx.msk [tilespmem:v3+s11+$0x0], $0xffff  }
.LBB2_9:
0x1ba: {  	p0 =	sne.s32 s24, $0x1F0;
	v1 =	vshll.u32 v1, $0x5  }
0x1bb: {  	v1 =	vor.u32 v0, v1;
	_ =	sdelay $0x3  }
0x1bc: {  	[tilespmem:s23+$0x1E00] =	vst v2  }
0x1bd: {  	v2 =	vld.idx.msk [tilespmem:v1+s11+$0x0], $0xffff;
	_ =	sdelay $0x1  }
0x1be: {  	v3 =	vor.u32 $0x1, v1;
	_ =	sdelay $0x2  }
0x1bf: {  	s23 =	sadd.s32 $0x10, s23  }
0x1c0: {  	[tilespmem:s23+$0xFFFFE000] =	vst v2  }
0x1c1: {  	v2 =	vld.idx.msk [tilespmem:v3+s11+$0x0], $0xffff;
	_ =	sdelay $0x1  }
0x1c2: {  	v3 =	vor.u32 $0x2, v1;
	_ =	sdelay $0x3  }
0x1c3: {  	[tilespmem:s23+$0xFFFFE200] =	vst v2  }
0x1c4: {  	v2 =	vld.idx.msk [tilespmem:v3+s11+$0x0], $0xffff;
	_ =	sdelay $0x1  }
0x1c5: {  	v3 =	vor.u32 $0x3, v1;
	_ =	sdelay $0x3  }
0x1c6: {  	[tilespmem:s23+$0xFFFFE400] =	vst v2  }
0x1c7: {  	v2 =	vld.idx.msk [tilespmem:v3+s11+$0x0], $0xffff;
	_ =	sdelay $0x1  }
0x1c8: {  	v3 =	vor.u32 $0x4, v1;
	_ =	sdelay $0x3  }
0x1c9: {  	[tilespmem:s23+$0xFFFFE600] =	vst v2  }
0x1ca: {  	v2 =	vld.idx.msk [tilespmem:v3+s11+$0x0], $0xffff;
	_ =	sdelay $0x1  }
0x1cb: {  	v3 =	vor.u32 $0x5, v1;
	_ =	sdelay $0x3  }
0x1cc: {  	[tilespmem:s23+$0xFFFFE800] =	vst v2  }
0x1cd: {  	v2 =	vld.idx.msk [tilespmem:v3+s11+$0x0], $0xffff;
	_ =	sdelay $0x1  }
0x1ce: {  	v3 =	vor.u32 $0x6, v1;
	_ =	sdelay $0x3  }
0x1cf: {  	[tilespmem:s23+$0xFFFFEA00] =	vst v2  }
0x1d0: {  	v2 =	vld.idx.msk [tilespmem:v3+s11+$0x0], $0xffff;
	_ =	sdelay $0x1  }
0x1d1: {  	v3 =	vor.u32 $0x7, v1;
	_ =	sdelay $0x3  }
0x1d2: {  	[tilespmem:s23+$0xFFFFEC00] =	vst v2  }
0x1d3: {  	v2 =	vld.idx.msk [tilespmem:v3+s11+$0x0], $0xffff;
	_ =	sdelay $0x1  }
0x1d4: {  	v3 =	vor.u32 $0x8, v1;
	_ =	sdelay $0x3  }
0x1d5: {  	[tilespmem:s23+$0xFFFFEE00] =	vst v2  }
0x1d6: {  	v2 =	vld.idx.msk [tilespmem:v3+s11+$0x0], $0xffff;
	_ =	sdelay $0x1  }
0x1d7: {  	v3 =	vor.u32 $0x9, v1;
	_ =	sdelay $0x3  }
0x1d8: {  	[tilespmem:s23+$0xFFFFF000] =	vst v2  }
0x1d9: {  	v2 =	vld.idx.msk [tilespmem:v3+s11+$0x0], $0xffff;
	_ =	sdelay $0x1  }
0x1da: {  	v3 =	vor.u32 $0xA, v1;
	_ =	sdelay $0x3  }
0x1db: {  	[tilespmem:s23+$0xFFFFF200] =	vst v2  }
0x1dc: {  	v2 =	vld.idx.msk [tilespmem:v3+s11+$0x0], $0xffff;
	_ =	sdelay $0x1  }
0x1dd: {  	v3 =	vor.u32 $0xB, v1;
	_ =	sdelay $0x3  }
0x1de: {  	[tilespmem:s23+$0xFFFFF400] =	vst v2  }
0x1df: {  	v2 =	vld.idx.msk [tilespmem:v3+s11+$0x0], $0xffff;
	_ =	sdelay $0x1  }
0x1e0: {  	v3 =	vor.u32 $0xC, v1;
	_ =	sdelay $0x3  }
0x1e1: {  	[tilespmem:s23+$0xFFFFF600] =	vst v2  }
0x1e2: {  	v2 =	vld.idx.msk [tilespmem:v3+s11+$0x0], $0xffff;
	_ =	sdelay $0x1  }
0x1e3: {  	v3 =	vor.u32 $0xD, v1;
	_ =	sdelay $0x3  }
0x1e4: {  	[tilespmem:s23+$0xFFFFF800] =	vst v2  }
0x1e5: {  	v2 =	vld.idx.msk [tilespmem:v3+s11+$0x0], $0xffff;
	_ =	sdelay $0x1  }
0x1e6: {  	v3 =	vor.u32 $0xE, v1;
	_ =	sdelay $0x3  }
0x1e7: {  	[tilespmem:s23+$0xFFFFFA00] =	vst v2  }
0x1e8: {  	v2 =	vld.idx.msk [tilespmem:v3+s11+$0x0], $0xffff;
	_ =	sdelay $0x1  }
0x1e9: {  	v3 =	vor.u32 $0xF, v1;
	_ =	sdelay $0x3  }
0x1ea: {  	[tilespmem:s23+$0xFFFFFC00] =	vst v2  }
0x1eb: {  	v2 =	vld.idx.msk [tilespmem:v3+s11+$0x0], $0xffff;
	_ =	sdelay $0x1  }
0x1ec: {  	v3 =	vor.u32 $0x10, v1;
	_ =	sdelay $0x3  }
0x1ed: {  	[tilespmem:s23+$0xFFFFFE00] =	vst v2  }
0x1ee: {  	v2 =	vld.idx.msk [tilespmem:v3+s11+$0x0], $0xffff;
	_ =	sdelay $0x1  }
0x1ef: {  	v3 =	vor.u32 $0x11, v1;
	_ =	sdelay $0x3  }
0x1f0: {  	[tilespmem:s23+$0x0] =	vst v2  }
0x1f1: {  	v2 =	vld.idx.msk [tilespmem:v3+s11+$0x0], $0xffff;
	_ =	sdelay $0x1  }
0x1f2: {  	v3 =	vor.u32 $0x12, v1;
	_ =	sdelay $0x3  }
0x1f3: {  	[tilespmem:s23+$0x200] =	vst v2  }
0x1f4: {  	v2 =	vld.idx.msk [tilespmem:v3+s11+$0x0], $0xffff;
	_ =	sdelay $0x1  }
0x1f5: {  	v3 =	vor.u32 $0x13, v1;
	_ =	sdelay $0x3  }
0x1f6: {  	[tilespmem:s23+$0x400] =	vst v2  }
0x1f7: {  	v2 =	vld.idx.msk [tilespmem:v3+s11+$0x0], $0xffff;
	_ =	sdelay $0x1  }
0x1f8: {  	v3 =	vor.u32 $0x14, v1;
	_ =	sdelay $0x3  }
0x1f9: {  	[tilespmem:s23+$0x600] =	vst v2  }
0x1fa: {  	v2 =	vld.idx.msk [tilespmem:v3+s11+$0x0], $0xffff;
	_ =	sdelay $0x1  }
0x1fb: {  	v3 =	vor.u32 $0x15, v1;
	_ =	sdelay $0x3  }
0x1fc: {  	[tilespmem:s23+$0x800] =	vst v2  }
0x1fd: {  	v2 =	vld.idx.msk [tilespmem:v3+s11+$0x0], $0xffff;
	_ =	sdelay $0x1  }
0x1fe: {  	v3 =	vor.u32 $0x16, v1;
	_ =	sdelay $0x3  }
0x1ff: {  	[tilespmem:s23+$0xA00] =	vst v2  }
0x200: {  	v2 =	vld.idx.msk [tilespmem:v3+s11+$0x0], $0xffff;
	_ =	sdelay $0x1  }
0x201: {  	v3 =	vor.u32 $0x17, v1;
	_ =	sdelay $0x3  }
0x202: {  	[tilespmem:s23+$0xC00] =	vst v2  }
0x203: {  	v2 =	vld.idx.msk [tilespmem:v3+s11+$0x0], $0xffff;
	_ =	sdelay $0x1  }
0x204: {  	v3 =	vor.u32 $0x18, v1;
	_ =	sdelay $0x3  }
0x205: {  	[tilespmem:s23+$0xE00] =	vst v2  }
0x206: {  	v2 =	vld.idx.msk [tilespmem:v3+s11+$0x0], $0xffff;
	_ =	sdelay $0x1  }
0x207: {  	v3 =	vor.u32 $0x19, v1;
	_ =	sdelay $0x3  }
0x208: {  	[tilespmem:s23+$0x1000] =	vst v2  }
0x209: {  	v2 =	vld.idx.msk [tilespmem:v3+s11+$0x0], $0xffff;
	_ =	sdelay $0x1  }
0x20a: {  	v3 =	vor.u32 $0x1A, v1;
	_ =	sdelay $0x3  }
0x20b: {  	[tilespmem:s23+$0x1200] =	vst v2  }
0x20c: {  	v2 =	vld.idx.msk [tilespmem:v3+s11+$0x0], $0xffff;
	_ =	sdelay $0x1  }
0x20d: {  	v3 =	vor.u32 $0x1B, v1;
	_ =	sdelay $0x3  }
0x20e: {  	[tilespmem:s23+$0x1400] =	vst v2  }
0x20f: {  	v2 =	vld.idx.msk [tilespmem:v3+s11+$0x0], $0xffff;
	_ =	sdelay $0x1  }
0x210: {  	v3 =	vor.u32 $0x1C, v1;
	_ =	sdelay $0x3  }
0x211: {  	[tilespmem:s23+$0x1600] =	vst v2  }
0x212: {  	v2 =	vld.idx.msk [tilespmem:v3+s11+$0x0], $0xffff;
	_ =	sdelay $0x1  }
0x213: {  	v3 =	vor.u32 $0x1D, v1;
	_ =	sdelay $0x3  }
0x214: {  	[tilespmem:s23+$0x1800] =	vst v2  }
0x215: {  	v2 =	vld.idx.msk [tilespmem:v3+s11+$0x0], $0xffff;
	_ =	sdelay $0x1  }
0x216: {  	v3 =	vor.u32 $0x1E, v1;
	_ =	sdelay $0x3  }
0x217: {  	[tilespmem:s23+$0x1A00] =	vst v2  }
0x218: {  	v2 =	vld.idx.msk [tilespmem:v3+s11+$0x0], $0xffff;
	_ =	sdelay $0x1  }
0x219: {  	v3 =	vor.u32 $0x1F, v1  }
.Ltmp4:
0x21a: {  	(pc) =	sbr.rel @p0 .LBB2_9-.Ltmp4, $3  }
0x21b: {  	_ =	sdelay $0x1  }
0x21c: {  	[tilespmem:s23+$0x1C00] =	vst v2  }
0x21d: {  	v1 =	vmov s24;
	s24 =	sadd.s32 $0x10, s24;
	v2 =	vld.idx.msk [tilespmem:v3+s11+$0x0], $0xffff  }
0x21e: {  	v1 =	vshll.u32 v1, $0x5  }
0x21f: {  	v1 =	vor.u32 v0, v1;
	_ =	sdelay $0x3  }
0x220: {  	[tilespmem:s23+$0x1E00] =	vst v2  }
0x221: {  	v2 =	vld.idx.msk [tilespmem:v1+s11+$0x0], $0xffff  }
0x222: {  	v3 =	vor.u32 $0x1, v1;
	_ =	sdelay $0x2  }
0x223: {  	s31 =	sadd.s32 $0x10, s23  }
0x224: {  	[tilespmem:s31+$0xFFFFE000] =	vst v2  }
0x225: {  	v2 =	vld.idx.msk [tilespmem:v3+s11+$0x0], $0xffff  }
0x226: {  	v3 =	vor.u32 $0x2, v1;
	_ =	sdelay $0x3  }
0x227: {  	[tilespmem:s31+$0xFFFFE200] =	vst v2  }
0x228: {  	v2 =	vld.idx.msk [tilespmem:v3+s11+$0x0], $0xffff  }
0x229: {  	v3 =	vor.u32 $0x3, v1;
	_ =	sdelay $0x3  }
0x22a: {  	[tilespmem:s31+$0xFFFFE400] =	vst v2  }
0x22b: {  	v2 =	vld.idx.msk [tilespmem:v3+s11+$0x0], $0xffff  }
0x22c: {  	v3 =	vor.u32 $0x4, v1;
	_ =	sdelay $0x3  }
0x22d: {  	[tilespmem:s31+$0xFFFFE600] =	vst v2  }
0x22e: {  	v2 =	vld.idx.msk [tilespmem:v3+s11+$0x0], $0xffff  }
0x22f: {  	v3 =	vor.u32 $0x5, v1;
	_ =	sdelay $0x3  }
0x230: {  	[tilespmem:s31+$0xFFFFE800] =	vst v2  }
0x231: {  	v2 =	vld.idx.msk [tilespmem:v3+s11+$0x0], $0xffff  }
0x232: {  	v3 =	vor.u32 $0x6, v1;
	_ =	sdelay $0x3  }
0x233: {  	[tilespmem:s31+$0xFFFFEA00] =	vst v2  }
0x234: {  	v2 =	vld.idx.msk [tilespmem:v3+s11+$0x0], $0xffff  }
0x235: {  	v3 =	vor.u32 $0x7, v1;
	_ =	sdelay $0x3  }
0x236: {  	[tilespmem:s31+$0xFFFFEC00] =	vst v2  }
0x237: {  	v2 =	vld.idx.msk [tilespmem:v3+s11+$0x0], $0xffff  }
0x238: {  	v3 =	vor.u32 $0x8, v1;
	_ =	sdelay $0x3  }
0x239: {  	[tilespmem:s31+$0xFFFFEE00] =	vst v2  }
0x23a: {  	v2 =	vld.idx.msk [tilespmem:v3+s11+$0x0], $0xffff  }
0x23b: {  	v3 =	vor.u32 $0x9, v1;
	_ =	sdelay $0x3  }
0x23c: {  	[tilespmem:s31+$0xFFFFF000] =	vst v2  }
0x23d: {  	v2 =	vld.idx.msk [tilespmem:v3+s11+$0x0], $0xffff  }
0x23e: {  	v3 =	vor.u32 $0xA, v1;
	_ =	sdelay $0x3  }
0x23f: {  	[tilespmem:s31+$0xFFFFF200] =	vst v2  }
0x240: {  	v2 =	vld.idx.msk [tilespmem:v3+s11+$0x0], $0xffff  }
0x241: {  	v3 =	vor.u32 $0xB, v1;
	_ =	sdelay $0x3  }
0x242: {  	[tilespmem:s31+$0xFFFFF400] =	vst v2  }
0x243: {  	v2 =	vld.idx.msk [tilespmem:v3+s11+$0x0], $0xffff  }
0x244: {  	v3 =	vor.u32 $0xC, v1;
	_ =	sdelay $0x3  }
0x245: {  	[tilespmem:s31+$0xFFFFF600] =	vst v2  }
0x246: {  	v2 =	vld.idx.msk [tilespmem:v3+s11+$0x0], $0xffff  }
0x247: {  	v3 =	vor.u32 $0xD, v1;
	_ =	sdelay $0x3  }
0x248: {  	[tilespmem:s31+$0xFFFFF800] =	vst v2  }
0x249: {  	v2 =	vld.idx.msk [tilespmem:v3+s11+$0x0], $0xffff  }
0x24a: {  	v3 =	vor.u32 $0xE, v1;
	_ =	sdelay $0x3  }
0x24b: {  	[tilespmem:s31+$0xFFFFFA00] =	vst v2  }
0x24c: {  	v2 =	vld.idx.msk [tilespmem:v3+s11+$0x0], $0xffff  }
0x24d: {  	v3 =	vor.u32 $0xF, v1;
	_ =	sdelay $0x3  }
0x24e: {  	[tilespmem:s31+$0xFFFFFC00] =	vst v2  }
0x24f: {  	v2 =	vld.idx.msk [tilespmem:v3+s11+$0x0], $0xffff  }
0x250: {  	v3 =	vor.u32 $0x10, v1;
	_ =	sdelay $0x3  }
0x251: {  	[tilespmem:s31+$0xFFFFFE00] =	vst v2  }
0x252: {  	v2 =	vld.idx.msk [tilespmem:v3+s11+$0x0], $0xffff  }
0x253: {  	v3 =	vor.u32 $0x11, v1;
	_ =	sdelay $0x3  }
0x254: {  	[tilespmem:s31+$0x0] =	vst v2  }
0x255: {  	v2 =	vld.idx.msk [tilespmem:v3+s11+$0x0], $0xffff  }
0x256: {  	v3 =	vor.u32 $0x12, v1;
	_ =	sdelay $0x3  }
0x257: {  	[tilespmem:s31+$0x200] =	vst v2  }
0x258: {  	v2 =	vld.idx.msk [tilespmem:v3+s11+$0x0], $0xffff  }
0x259: {  	v3 =	vor.u32 $0x13, v1;
	_ =	sdelay $0x3  }
0x25a: {  	[tilespmem:s31+$0x400] =	vst v2  }
0x25b: {  	v2 =	vld.idx.msk [tilespmem:v3+s11+$0x0], $0xffff  }
0x25c: {  	v3 =	vor.u32 $0x14, v1;
	_ =	sdelay $0x3  }
0x25d: {  	[tilespmem:s31+$0x600] =	vst v2  }
0x25e: {  	v2 =	vld.idx.msk [tilespmem:v3+s11+$0x0], $0xffff  }
0x25f: {  	v3 =	vor.u32 $0x15, v1;
	_ =	sdelay $0x3  }
0x260: {  	[tilespmem:s31+$0x800] =	vst v2  }
0x261: {  	v2 =	vld.idx.msk [tilespmem:v3+s11+$0x0], $0xffff  }
0x262: {  	v3 =	vor.u32 $0x16, v1;
	_ =	sdelay $0x3  }
0x263: {  	[tilespmem:s31+$0xA00] =	vst v2  }
0x264: {  	v2 =	vld.idx.msk [tilespmem:v3+s11+$0x0], $0xffff  }
0x265: {  	v3 =	vor.u32 $0x17, v1;
	_ =	sdelay $0x3  }
0x266: {  	[tilespmem:s31+$0xC00] =	vst v2  }
0x267: {  	v2 =	vld.idx.msk [tilespmem:v3+s11+$0x0], $0xffff  }
0x268: {  	v3 =	vor.u32 $0x18, v1;
	_ =	sdelay $0x3  }
0x269: {  	[tilespmem:s31+$0xE00] =	vst v2  }
0x26a: {  	v2 =	vld.idx.msk [tilespmem:v3+s11+$0x0], $0xffff  }
0x26b: {  	v3 =	vor.u32 $0x19, v1;
	_ =	sdelay $0x3  }
0x26c: {  	[tilespmem:s31+$0x1000] =	vst v2  }
0x26d: {  	v2 =	vld.idx.msk [tilespmem:v3+s11+$0x0], $0xffff  }
0x26e: {  	v3 =	vor.u32 $0x1A, v1;
	_ =	sdelay $0x3  }
0x26f: {  	[tilespmem:s31+$0x1200] =	vst v2  }
0x270: {  	v2 =	vld.idx.msk [tilespmem:v3+s11+$0x0], $0xffff  }
0x271: {  	v3 =	vor.u32 $0x1B, v1;
	_ =	sdelay $0x3  }
0x272: {  	[tilespmem:s31+$0x1400] =	vst v2  }
0x273: {  	v2 =	vld.idx.msk [tilespmem:v3+s11+$0x0], $0xffff  }
0x274: {  	v3 =	vor.u32 $0x1C, v1;
	_ =	sdelay $0x3  }
0x275: {  	[tilespmem:s31+$0x1600] =	vst v2  }
0x276: {  	v2 =	vld.idx.msk [tilespmem:v3+s11+$0x0], $0xffff  }
0x277: {  	v3 =	vor.u32 $0x1D, v1;
	_ =	sdelay $0x3  }
0x278: {  	[tilespmem:s31+$0x1800] =	vst v2  }
0x279: {  	v2 =	vld.idx.msk [tilespmem:v3+s11+$0x0], $0xffff  }
0x27a: {  	v3 =	vor.u32 $0x1E, v1;
	_ =	sdelay $0x3  }
0x27b: {  	[tilespmem:s31+$0x1A00] =	vst v2  }
0x27c: {  	v2 =	vld.idx.msk [tilespmem:v3+s11+$0x0], $0xffff  }
0x27d: {  	v1 =	vor.u32 $0x1F, v1;
	_ =	sdelay $0x3  }
0x27e: {  	[tilespmem:s31+$0x1C00] =	vst v2  }
0x27f: {  	v1 =	vld.idx.msk [tilespmem:v1+s11+$0x0], $0xffff  }
0x280: {  	s21 =	sadd.s32 s6, s21  }
0x281: {  	s24 =	sshll.u32 s21, $0x6  }
0x282: {  	p0 =	seq.s32 s20, $0x18;
	s21 =	sshll.u32 s21, $0xB;
	s24 =	sand.u32 $0x7C0, s24  }
0x283: {  	s20 =	sshll.u32 @!p0 s20, $0xA;
	s21 =	sand.u32 $0xFFF0000, s21;
	s24 =	sadd.s32 s4, s24  }
0x284: {  	p1 =	sne.s32 @!p0 s22, $0x19;
	s20 =	sand.u32 @!p0 $0x3FFFFC00, s20;
	s21 =	sadd.s32 s21, s24;
	[tilespmem:s31+$0x1E00] =	vst v1  }
0x285: {  	[hbm4b:s21+s9] =	stream.strided.scatter [tilespmem:s17], [sflag:$0x4], $0x4000, s13, s9, $0x38;
	[tilespmem:$0x16400] =	vst v63  }
0x286: {  	s20 =	sadd.s32 @!p0 $0x600, s20;
	s23 =	simm.s32 @!p0 $0xA400;
	s21 =	simm.s32 @!p0 $0x200  }
0x287: {  	[tilespmem:s23], [sflag:$0x2] =	stream.indirect.gather @!p0 [hbm4b:s3+s21], $0x20, s20, s21, $0xb8;
	[tilespmem:$0x16400] =	vst v63  }
0x288: {  	p0 =	por p0, !p1  }
.Ltmp5:
0x289: {  	_ = 	snop;
	(pc) =	sbr.rel @!p0 .LBB2_2-.Ltmp5, $2  }
0x28a: {  	_ =	sdelay $0x2  }
0x28b: {  	s20 =	smov.u32 s22  }
0x28c: {  	s19 =	sadd.s32 $0x1, s19  }
0x28d: {  	_ =	swait.ge [sflag:s18], $0x4000;
	p0 =	sne.s32 s19, s7  }
.Ltmp6:
0x28e: {  	[sflag:s18] =	ssyncset.done $0x0;
	(pc) =	sbr.rel @p0 .LBB2_1-.Ltmp6, $4  }
0x28f: {  	[sflag:s18] =	ssyncadd.s32 $0xFFFFC000  }
0x290: {  	_ =	swait.ge [sflag:s16], $0x4000  }
0x291: {  	[sflag:s16] =	ssyncset.done $0x0  }
0x292: {  	[sflag:s16] =	ssyncadd.s32 $0xFFFFC000  }
0x293: {  	_ =	sfence.sel $0x180000  }
0x294: {  	[bflag:$0x0] =	sbarrier.arrive $0xFFFF  }
0x295: {  	p0 =	sne.s32 s1, $0x0;
	_ =	strace $0x90000047  }
0x296: {  	s0 =	sadd.s32 @!p0 $0x100000, s0;
	[bflag:$0x2] =	sbarrier.arrive $0xFFFF  }
0x297: {  	[sflag:s0] =	ssyncadd.tile.s32 @!p0 $0x1;
	_ =	shalt  }
.Lfunc_end2:
_tile_overlayer_lowered:
.L_overlay_start_2:
0x298: {  	(tag) =	ssettag $0x2  }
0x299: {  	s0 =	rddreg [dreg:$0x0];
	s2 =	stileid.u32  }
0x29a: {  	s1 =	rddreg [dreg:$0x1];
	p0 =	sne.s32 s2, $0x0  }
0x29b: {  	s3 =	rddreg [dreg:$0x2];
	[bflag:$0x3] =	sbarrier.arrive $0xFFFF;
	s2 =	simm.s32 @!p0 $0x1C05  }
0x29c: {  	[timem:s3], [sflag:s2] =	dma.local @!p0 [hbm:s0], s1  }
0x29d: {  	s0 =	simm.s32 @!p0 $0x5  }
0x29e: {  	_ =	swait.ge @!p0 [sflag:s0], s1  }
0x29f: {  	s1 =	ssub.s32 @!p0 $0x0, s1;
	[sflag:s0] =	ssyncset.done @!p0 $0x0  }
0x2a0: {  	[sflag:s0] =	ssyncadd.s32 @!p0 s1  }
0x2a1: {  	[bflag:$0x3] =	sbarrier.arrive $0xFFFF  }
0x2a2: {  	_ =	shalt  }

</sc_bundles>
